<compile_context>
chip_gen: v7x
topology: tpu7x:2x2x1
jax: 0.10.2.dev20260603
libtpu: 0.0.44.dev20260713+nightly
codegen_flags: <defaults>
</compile_context>

<pallas_src>
import functools

import jax
import jax.numpy as jnp
from jax import lax
from jax.experimental import pallas as pl
from jax.experimental.pallas import tpu as pltpu
from jax.experimental.pallas import tpu_sc as plsc

_CHUNK = 640
_SUB = 128
_XBATCH = 8


@functools.cache
def _build_flatten(B, T):
    info = plsc.get_sparse_core_info()
    NC, NS = info.num_cores, info.num_subcores
    NW = NC * NS
    rows_per_w = B // NW
    assert B % NW == 0 and rows_per_w % _XBATCH == 0 and T % 8 == 0
    mesh = plsc.VectorSubcoreMesh(core_axis_name="c", subcore_axis_name="s")

    col_offs = []
    c = 0
    while c + 16 <= min(T, 128):
        col_offs.append(c)
        c += 16
    c = 128
    while c < T:
        col_offs.append(min(c, T - 16))
        c += 16

    @functools.partial(
        pl.kernel,
        out_type=jax.ShapeDtypeStruct((B * T,), jnp.int32),
        mesh=mesh,
        scratch_types=[
            pltpu.VMEM((rows_per_w, T), jnp.int32),
            pltpu.VMEM((rows_per_w * T,), jnp.int32),
            pltpu.SemaphoreType.DMA,
        ],
        compiler_params=pltpu.CompilerParams(use_tc_tiling_on_sc=True),
    )
    def flatten_kernel(x_hbm, flat_hbm, xv, flat_v, sem):
        wid = lax.axis_index("s") * NC + lax.axis_index("c")
        base = wid * rows_per_w
        pltpu.sync_copy(x_hbm.at[pl.ds(base, rows_per_w)], xv)

        def body(r, carry):
            for c0 in col_offs:
                flat_v[pl.ds(r * T + c0, 16)] = xv[r, pl.ds(c0, 16)]
            return carry

        lax.fori_loop(0, rows_per_w, body, 0)
        pltpu.sync_copy(flat_v, flat_hbm.at[pl.ds(base * T, rows_per_w * T)])

    return flatten_kernel


@functools.cache
def _build_gather(N, V, D):
    info = plsc.get_sparse_core_info()
    NC, NS = info.num_cores, info.num_subcores
    NW = NC * NS
    n_per_w = N // NW
    assert N % NW == 0 and n_per_w % _CHUNK == 0 and _CHUNK % _SUB == 0
    n_chunks = n_per_w // _CHUNK
    assert n_chunks % 2 == 0
    n_sub = _CHUNK // _SUB
    mesh = plsc.VectorSubcoreMesh(core_axis_name="c", subcore_axis_name="s")

    @functools.partial(
        pl.kernel,
        out_type=jax.ShapeDtypeStruct((N, D), jnp.float32),
        mesh=mesh,
        scratch_types=[
            pltpu.VMEM((n_per_w,), jnp.int32),
            pltpu.VMEM((2, _CHUNK, D), jnp.float32),
            pltpu.SemaphoreType.DMA,
            pltpu.SemaphoreType.DMA,
        ],
        compiler_params=pltpu.CompilerParams(use_tc_tiling_on_sc=False),
    )
    def gather_kernel(idx_hbm, table_hbm, out_hbm, idx_v, rows_v, sem0, sem1):
        sems = (sem0, sem1)
        wid = lax.axis_index("s") * NC + lax.axis_index("c")
        base = wid * n_per_w
        pltpu.sync_copy(idx_hbm.at[pl.ds(base, n_per_w)], idx_v)

        def fire(c, buf):
            for j in range(n_sub):
                pltpu.async_copy(
                    table_hbm.at[idx_v.at[pl.ds(c * _CHUNK + j * _SUB, _SUB)]],
                    rows_v.at[buf].at[pl.ds(j * _SUB, _SUB)],
                    sems[buf],
                )

        def drain(buf):
            pltpu.make_async_copy(
                table_hbm.at[pl.ds(0, _CHUNK)], rows_v.at[buf], sems[buf]
            ).wait()

        fire(0, 0)

        def body(it, carry):
            i = it * 2
            for buf in range(2):
                c = i + buf

                @pl.when(c + 1 < n_chunks)
                def _():
                    fire(c + 1, 1 - buf)

                drain(buf)
                pltpu.sync_copy(
                    rows_v.at[buf],
                    out_hbm.at[pl.ds(base + c * _CHUNK, _CHUNK)],
                )
            return carry

        lax.fori_loop(0, n_chunks // 2, body, 0)

    return gather_kernel


_SCHUNK = 320
_SSUB = 160


@functools.cache
def _build_slab_gather(N, V2, D2):
    info = plsc.get_sparse_core_info()
    NC, NS = info.num_cores, info.num_subcores
    NW = NC * NS
    n_per_w = N // NW
    assert N % NW == 0 and n_per_w % _SCHUNK == 0 and _SCHUNK % _SSUB == 0
    n_chunks = n_per_w // _SCHUNK
    assert n_chunks % 2 == 0
    n_sub = _SCHUNK // _SSUB
    mesh = plsc.VectorSubcoreMesh(core_axis_name="c", subcore_axis_name="s")

    @functools.partial(
        pl.kernel,
        out_type=jax.ShapeDtypeStruct((N, D2), jnp.float32),
        mesh=mesh,
        scratch_types=[
            pltpu.VMEM((n_per_w,), jnp.int32),
            pltpu.VMEM((2, _SCHUNK, D2), jnp.float32),
            pltpu.SemaphoreType.DMA,
            pltpu.SemaphoreType.DMA,
        ],
        compiler_params=pltpu.CompilerParams(use_tc_tiling_on_sc=True),
    )
    def slab_kernel(idx_hbm, table_hbm, out_hbm, idx_v, rows_v, sem0, sem1):
        sems = (sem0, sem1)
        wid = lax.axis_index("s") * NC + lax.axis_index("c")
        base = wid * n_per_w
        pltpu.sync_copy(idx_hbm.at[pl.ds(base, n_per_w)], idx_v)

        def fire(c, buf):
            for j in range(n_sub):
                pltpu.async_copy(
                    table_hbm.at[idx_v.at[pl.ds(c * _SCHUNK + j * _SSUB, _SSUB)]],
                    rows_v.at[buf].at[pl.ds(j * _SSUB, _SSUB)],
                    sems[buf],
                )

        def drain(buf):
            pltpu.make_async_copy(
                table_hbm.at[pl.ds(0, _SCHUNK)], rows_v.at[buf], sems[buf]
            ).wait()

        fire(0, 0)

        def body(it, carry):
            i = it * 2
            for buf in range(2):
                c = i + buf

                @pl.when(c + 1 < n_chunks)
                def _():
                    fire(c + 1, 1 - buf)

                drain(buf)
                pltpu.sync_copy(
                    rows_v.at[buf],
                    out_hbm.at[pl.ds(base + c * _SCHUNK, _SCHUNK)],
                )
            return carry

        lax.fori_loop(0, n_chunks // 2, body, 0)

    return slab_kernel


def kernel(x, table):
    B, T = x.shape
    V, D = table.shape
    flat = _build_flatten(B, T)(x)
    slab_idx = flat >> 1
    tbl2 = jnp.reshape(table, (V // 2, 2 * D))
    out = _build_slab_gather(B * T, V // 2, 2 * D)(slab_idx, tbl2)
    return out

# --- scband reference (transcript-rebuilt; emitter-appended) ---
"""Pipeline reference for scband-ls-emb-38405597561598 (READ-ONLY COPY).

The authoritative reference and input builder live on the scoring server;
editing this copy changes nothing except your own understanding.
"""

import jax, jax.numpy as jnp
import numpy as np

VOCAB = 1000000
EMBED_DIM = 64

def setup_inputs(seed: int = 0) -> dict:
    key = jax.random.key(seed)
    k1, k2 = jax.random.split(key)
    x = jax.random.randint(k1, (4096, 200), 0, VOCAB, dtype=jnp.int64 if jax.config.jax_enable_x64 else jnp.int32)
    table = jax.random.normal(k2, (VOCAB, EMBED_DIM), dtype=jnp.float32) * 0.02
    return {"x": x, "table": table}

def reference(x, table):
    # LS_Emb forward: flatten indices, per-index offsets -> single-element bags
    # (EmbeddingBag with one element per bag == plain embedding lookup),
    # then reshape back to (b, t, embed_dim).
    b = x.shape[0]
    t = x.shape[1]
    flat = jnp.reshape(x, (-1,))
    gathered = jnp.take(table, flat, axis=0)
    out = jnp.reshape(gathered, (b, t, -1))
    return out

if __name__ == "__main__":
    import jax
    _d = setup_inputs()
    print(jax.jit(kernel)(*tuple(_d.values())))

</pallas_src>

<mosaic_0001>
#map = affine_map<(d0, d1) -> (0, 0)>
#map1 = affine_map<(d0, d1) -> (0)>
module attributes {stable_mosaic.version = 14 : i64} {
  func.func @flatten_kernel(%arg0: i32, %arg1: i32, %arg2: memref<4096x200xi32, #tpu.memory_space<hbm>>, %arg3: memref<819200xi32, #tpu.memory_space<hbm>>, %arg4: memref<128x200xi32, #tpu.memory_space<vmem>>, %arg5: memref<25600xi32, #tpu.memory_space<vmem>>, %arg6: memref<!tpu.dma_semaphore, #tpu.memory_space<semaphore_mem>>) attributes {dimension_semantics = [#tpu.dimension_semantics<core_parallel>, #tpu.dimension_semantics<subcore_parallel>], iteration_bounds = array<i64: 2, 16>, scalar_prefetch = 0 : i64, scratch_operands = 3 : i64, tpu.core_type = #tpu.core_type<sc_vector_subcore>, window_params = [{transform_indices = #map}, {transform_indices = #map1}]} {
    %mul3A = arith.constant 2 : i32
    %mul3A_0 = arith.muli %arg1, %mul3A : i32
    %add3A = arith.addi %mul3A_0, %arg0 : i32
    %mul3A_1 = arith.constant 128 : i32
    %mul3A_2 = arith.muli %add3A, %mul3A_1 : i32
    "tpu.region"() ({
      %run_scoped3A = tpu.sem_alloc : memref<!tpu.dma_semaphore, #tpu.memory_space<semaphore_mem>>
      %dma_start3A = arith.constant 0 : i32
      %dma_start3A_10 = tpu.memref_slice %arg2[%mul3A_2, %dma_start3A] : memref<4096x200xi32, #tpu.memory_space<hbm>> -> memref<128x200xi32, #tpu.memory_space<hbm>>
      %dma_start3A_11 = arith.constant 0 : i32
      %dma_start3A_12 = tpu.memref_slice %arg2[%mul3A_2, %dma_start3A_11] : memref<4096x200xi32, #tpu.memory_space<hbm>> -> memref<128x200xi32, #tpu.memory_space<hbm>>
      tpu.enqueue_dma source(%dma_start3A_12 : memref<128x200xi32, #tpu.memory_space<hbm>>) target(%arg4 : memref<128x200xi32, #tpu.memory_space<vmem>>) target_semaphore(%run_scoped3A : memref<!tpu.dma_semaphore, #tpu.memory_space<semaphore_mem>>)
      %dma_wait3A = arith.constant 0 : i32
      %dma_wait3A_13 = tpu.memref_slice %arg2[%mul3A_2, %dma_wait3A] : memref<4096x200xi32, #tpu.memory_space<hbm>> -> memref<128x200xi32, #tpu.memory_space<hbm>>
      %dma_wait3A_14 = arith.constant 0 : i32
      %dma_wait3A_15 = tpu.memref_slice %arg2[%mul3A_2, %dma_wait3A_14] : memref<4096x200xi32, #tpu.memory_space<hbm>> -> memref<128x200xi32, #tpu.memory_space<hbm>>
      tpu.wait_dma2 semaphore(%run_scoped3A : memref<!tpu.dma_semaphore, #tpu.memory_space<semaphore_mem>>) src(%dma_wait3A_15 : memref<128x200xi32, #tpu.memory_space<hbm>>) dst(%arg4 : memref<128x200xi32, #tpu.memory_space<vmem>>)
      tpu.yield
    }) : () -> ()
    %scan3A = arith.constant 0 : i32
    %scan3A_3 = arith.constant 0 : i32
    %scan3A_4 = arith.constant 128 : i32
    %scan3A_5 = arith.addi %scan3A_3, %scan3A_4 : i32
    %scan3A_6 = arith.constant 1 : i32
    scf.for %scan3A_10 = %scan3A_3 to %scan3A_5 step %scan3A_6  : i32 {
      %get3A = arith.index_cast %scan3A_10 : i32 to index
      %get3A_11 = arith.constant 0 : index
      %get3A_12 = tpu.vector_load %arg4[%get3A, %get3A_11] {strides = array<i32>} : memref<128x200xi32, #tpu.memory_space<vmem>>, vector<1x16xi32>,
      %get3A_13 = vector.shape_cast %get3A_12 : vector<1x16xi32> to vector<16xi32>
      %mul3A_14 = arith.constant 200 : i32
      %mul3A_15 = arith.muli %scan3A_10, %mul3A_14 : i32
      %add3A_16 = arith.constant 0 : i32
      %add3A_17 = arith.addi %mul3A_15, %add3A_16 : i32
      %swap3A = arith.index_cast %add3A_17 : i32 to index
      %swap3A_18 = tpu.vector_load %arg5[%swap3A] {strides = array<i32>} : memref<25600xi32, #tpu.memory_space<vmem>>, vector<16xi32>,
      %swap3A_19 = vector.shape_cast %swap3A_18 : vector<16xi32> to vector<16xi32>
      %swap3A_20 = vector.shape_cast %get3A_13 : vector<16xi32> to vector<16xi32>
      tpu.vector_store %arg5[%swap3A], %swap3A_20 {strides = array<i32>} : memref<25600xi32, #tpu.memory_space<vmem>>, vector<16xi32>,
      %get3A_21 = arith.index_cast %scan3A_10 : i32 to index
      %get3A_22 = arith.constant 16 : index
      %get3A_23 = tpu.vector_load %arg4[%get3A_21, %get3A_22] {strides = array<i32>} : memref<128x200xi32, #tpu.memory_space<vmem>>, vector<1x16xi32>,
      %get3A_24 = vector.shape_cast %get3A_23 : vector<1x16xi32> to vector<16xi32>
      %mul3A_25 = arith.constant 200 : i32
      %mul3A_26 = arith.muli %scan3A_10, %mul3A_25 : i32
      %add3A_27 = arith.constant 16 : i32
      %add3A_28 = arith.addi %mul3A_26, %add3A_27 : i32
      %swap3A_29 = arith.index_cast %add3A_28 : i32 to index
      %swap3A_30 = tpu.vector_load %arg5[%swap3A_29] {strides = array<i32>} : memref<25600xi32, #tpu.memory_space<vmem>>, vector<16xi32>,
      %swap3A_31 = vector.shape_cast %swap3A_30 : vector<16xi32> to vector<16xi32>
      %swap3A_32 = vector.shape_cast %get3A_24 : vector<16xi32> to vector<16xi32>
      tpu.vector_store %arg5[%swap3A_29], %swap3A_32 {strides = array<i32>} : memref<25600xi32, #tpu.memory_space<vmem>>, vector<16xi32>,
      %get3A_33 = arith.index_cast %scan3A_10 : i32 to index
      %get3A_34 = arith.constant 32 : index
      %get3A_35 = tpu.vector_load %arg4[%get3A_33, %get3A_34] {strides = array<i32>} : memref<128x200xi32, #tpu.memory_space<vmem>>, vector<1x16xi32>,
      %get3A_36 = vector.shape_cast %get3A_35 : vector<1x16xi32> to vector<16xi32>
      %mul3A_37 = arith.constant 200 : i32
      %mul3A_38 = arith.muli %scan3A_10, %mul3A_37 : i32
      %add3A_39 = arith.constant 32 : i32
      %add3A_40 = arith.addi %mul3A_38, %add3A_39 : i32
      %swap3A_41 = arith.index_cast %add3A_40 : i32 to index
      %swap3A_42 = tpu.vector_load %arg5[%swap3A_41] {strides = array<i32>} : memref<25600xi32, #tpu.memory_space<vmem>>, vector<16xi32>,
      %swap3A_43 = vector.shape_cast %swap3A_42 : vector<16xi32> to vector<16xi32>
      %swap3A_44 = vector.shape_cast %get3A_36 : vector<16xi32> to vector<16xi32>
      tpu.vector_store %arg5[%swap3A_41], %swap3A_44 {strides = array<i32>} : memref<25600xi32, #tpu.memory_space<vmem>>, vector<16xi32>,
      %get3A_45 = arith.index_cast %scan3A_10 : i32 to index
      %get3A_46 = arith.constant 48 : index
      %get3A_47 = tpu.vector_load %arg4[%get3A_45, %get3A_46] {strides = array<i32>} : memref<128x200xi32, #tpu.memory_space<vmem>>, vector<1x16xi32>,
      %get3A_48 = vector.shape_cast %get3A_47 : vector<1x16xi32> to vector<16xi32>
      %mul3A_49 = arith.constant 200 : i32
      %mul3A_50 = arith.muli %scan3A_10, %mul3A_49 : i32
      %add3A_51 = arith.constant 48 : i32
      %add3A_52 = arith.addi %mul3A_50, %add3A_51 : i32
      %swap3A_53 = arith.index_cast %add3A_52 : i32 to index
      %swap3A_54 = tpu.vector_load %arg5[%swap3A_53] {strides = array<i32>} : memref<25600xi32, #tpu.memory_space<vmem>>, vector<16xi32>,
      %swap3A_55 = vector.shape_cast %swap3A_54 : vector<16xi32> to vector<16xi32>
      %swap3A_56 = vector.shape_cast %get3A_48 : vector<16xi32> to vector<16xi32>
      tpu.vector_store %arg5[%swap3A_53], %swap3A_56 {strides = array<i32>} : memref<25600xi32, #tpu.memory_space<vmem>>, vector<16xi32>,
      %get3A_57 = arith.index_cast %scan3A_10 : i32 to index
      %get3A_58 = arith.constant 64 : index
      %get3A_59 = tpu.vector_load %arg4[%get3A_57, %get3A_58] {strides = array<i32>} : memref<128x200xi32, #tpu.memory_space<vmem>>, vector<1x16xi32>,
      %get3A_60 = vector.shape_cast %get3A_59 : vector<1x16xi32> to vector<16xi32>
      %mul3A_61 = arith.constant 200 : i32
      %mul3A_62 = arith.muli %scan3A_10, %mul3A_61 : i32
      %add3A_63 = arith.constant 64 : i32
      %add3A_64 = arith.addi %mul3A_62, %add3A_63 : i32
      %swap3A_65 = arith.index_cast %add3A_64 : i32 to index
      %swap3A_66 = tpu.vector_load %arg5[%swap3A_65] {strides = array<i32>} : memref<25600xi32, #tpu.memory_space<vmem>>, vector<16xi32>,
      %swap3A_67 = vector.shape_cast %swap3A_66 : vector<16xi32> to vector<16xi32>
      %swap3A_68 = vector.shape_cast %get3A_60 : vector<16xi32> to vector<16xi32>
      tpu.vector_store %arg5[%swap3A_65], %swap3A_68 {strides = array<i32>} : memref<25600xi32, #tpu.memory_space<vmem>>, vector<16xi32>,
      %get3A_69 = arith.index_cast %scan3A_10 : i32 to index
      %get3A_70 = arith.constant 80 : index
      %get3A_71 = tpu.vector_load %arg4[%get3A_69, %get3A_70] {strides = array<i32>} : memref<128x200xi32, #tpu.memory_space<vmem>>, vector<1x16xi32>,
      %get3A_72 = vector.shape_cast %get3A_71 : vector<1x16xi32> to vector<16xi32>
      %mul3A_73 = arith.constant 200 : i32
      %mul3A_74 = arith.muli %scan3A_10, %mul3A_73 : i32
      %add3A_75 = arith.constant 80 : i32
      %add3A_76 = arith.addi %mul3A_74, %add3A_75 : i32
      %swap3A_77 = arith.index_cast %add3A_76 : i32 to index
      %swap3A_78 = tpu.vector_load %arg5[%swap3A_77] {strides = array<i32>} : memref<25600xi32, #tpu.memory_space<vmem>>, vector<16xi32>,
      %swap3A_79 = vector.shape_cast %swap3A_78 : vector<16xi32> to vector<16xi32>
      %swap3A_80 = vector.shape_cast %get3A_72 : vector<16xi32> to vector<16xi32>
      tpu.vector_store %arg5[%swap3A_77], %swap3A_80 {strides = array<i32>} : memref<25600xi32, #tpu.memory_space<vmem>>, vector<16xi32>,
      %get3A_81 = arith.index_cast %scan3A_10 : i32 to index
      %get3A_82 = arith.constant 96 : index
      %get3A_83 = tpu.vector_load %arg4[%get3A_81, %get3A_82] {strides = array<i32>} : memref<128x200xi32, #tpu.memory_space<vmem>>, vector<1x16xi32>,
      %get3A_84 = vector.shape_cast %get3A_83 : vector<1x16xi32> to vector<16xi32>
      %mul3A_85 = arith.constant 200 : i32
      %mul3A_86 = arith.muli %scan3A_10, %mul3A_85 : i32
      %add3A_87 = arith.constant 96 : i32
      %add3A_88 = arith.addi %mul3A_86, %add3A_87 : i32
      %swap3A_89 = arith.index_cast %add3A_88 : i32 to index
      %swap3A_90 = tpu.vector_load %arg5[%swap3A_89] {strides = array<i32>} : memref<25600xi32, #tpu.memory_space<vmem>>, vector<16xi32>,
      %swap3A_91 = vector.shape_cast %swap3A_90 : vector<16xi32> to vector<16xi32>
      %swap3A_92 = vector.shape_cast %get3A_84 : vector<16xi32> to vector<16xi32>
      tpu.vector_store %arg5[%swap3A_89], %swap3A_92 {strides = array<i32>} : memref<25600xi32, #tpu.memory_space<vmem>>, vector<16xi32>,
      %get3A_93 = arith.index_cast %scan3A_10 : i32 to index
      %get3A_94 = arith.constant 112 : index
      %get3A_95 = tpu.vector_load %arg4[%get3A_93, %get3A_94] {strides = array<i32>} : memref<128x200xi32, #tpu.memory_space<vmem>>, vector<1x16xi32>,
      %get3A_96 = vector.shape_cast %get3A_95 : vector<1x16xi32> to vector<16xi32>
      %mul3A_97 = arith.constant 200 : i32
      %mul3A_98 = arith.muli %scan3A_10, %mul3A_97 : i32
      %add3A_99 = arith.constant 112 : i32
      %add3A_100 = arith.addi %mul3A_98, %add3A_99 : i32
      %swap3A_101 = arith.index_cast %add3A_100 : i32 to index
      %swap3A_102 = tpu.vector_load %arg5[%swap3A_101] {strides = array<i32>} : memref<25600xi32, #tpu.memory_space<vmem>>, vector<16xi32>,
      %swap3A_103 = vector.shape_cast %swap3A_102 : vector<16xi32> to vector<16xi32>
      %swap3A_104 = vector.shape_cast %get3A_96 : vector<16xi32> to vector<16xi32>
      tpu.vector_store %arg5[%swap3A_101], %swap3A_104 {strides = array<i32>} : memref<25600xi32, #tpu.memory_space<vmem>>, vector<16xi32>,
      %get3A_105 = arith.index_cast %scan3A_10 : i32 to index
      %get3A_106 = arith.constant 128 : index
      %get3A_107 = tpu.vector_load %arg4[%get3A_105, %get3A_106] {strides = array<i32>} : memref<128x200xi32, #tpu.memory_space<vmem>>, vector<1x16xi32>,
      %get3A_108 = vector.shape_cast %get3A_107 : vector<1x16xi32> to vector<16xi32>
      %mul3A_109 = arith.constant 200 : i32
      %mul3A_110 = arith.muli %scan3A_10, %mul3A_109 : i32
      %add3A_111 = arith.constant 128 : i32
      %add3A_112 = arith.addi %mul3A_110, %add3A_111 : i32
      %swap3A_113 = arith.index_cast %add3A_112 : i32 to index
      %swap3A_114 = tpu.vector_load %arg5[%swap3A_113] {strides = array<i32>} : memref<25600xi32, #tpu.memory_space<vmem>>, vector<16xi32>,
      %swap3A_115 = vector.shape_cast %swap3A_114 : vector<16xi32> to vector<16xi32>
      %swap3A_116 = vector.shape_cast %get3A_108 : vector<16xi32> to vector<16xi32>
      tpu.vector_store %arg5[%swap3A_113], %swap3A_116 {strides = array<i32>} : memref<25600xi32, #tpu.memory_space<vmem>>, vector<16xi32>,
      %get3A_117 = arith.index_cast %scan3A_10 : i32 to index
      %get3A_118 = arith.constant 144 : index
      %get3A_119 = tpu.vector_load %arg4[%get3A_117, %get3A_118] {strides = array<i32>} : memref<128x200xi32, #tpu.memory_space<vmem>>, vector<1x16xi32>,
      %get3A_120 = vector.shape_cast %get3A_119 : vector<1x16xi32> to vector<16xi32>
      %mul3A_121 = arith.constant 200 : i32
      %mul3A_122 = arith.muli %scan3A_10, %mul3A_121 : i32
      %add3A_123 = arith.constant 144 : i32
      %add3A_124 = arith.addi %mul3A_122, %add3A_123 : i32
      %swap3A_125 = arith.index_cast %add3A_124 : i32 to index
      %swap3A_126 = tpu.vector_load %arg5[%swap3A_125] {strides = array<i32>} : memref<25600xi32, #tpu.memory_space<vmem>>, vector<16xi32>,
      %swap3A_127 = vector.shape_cast %swap3A_126 : vector<16xi32> to vector<16xi32>
      %swap3A_128 = vector.shape_cast %get3A_120 : vector<16xi32> to vector<16xi32>
      tpu.vector_store %arg5[%swap3A_125], %swap3A_128 {strides = array<i32>} : memref<25600xi32, #tpu.memory_space<vmem>>, vector<16xi32>,
      %get3A_129 = arith.index_cast %scan3A_10 : i32 to index
      %get3A_130 = arith.constant 160 : index
      %get3A_131 = tpu.vector_load %arg4[%get3A_129, %get3A_130] {strides = array<i32>} : memref<128x200xi32, #tpu.memory_space<vmem>>, vector<1x16xi32>,
      %get3A_132 = vector.shape_cast %get3A_131 : vector<1x16xi32> to vector<16xi32>
      %mul3A_133 = arith.constant 200 : i32
      %mul3A_134 = arith.muli %scan3A_10, %mul3A_133 : i32
      %add3A_135 = arith.constant 160 : i32
      %add3A_136 = arith.addi %mul3A_134, %add3A_135 : i32
      %swap3A_137 = arith.index_cast %add3A_136 : i32 to index
      %swap3A_138 = tpu.vector_load %arg5[%swap3A_137] {strides = array<i32>} : memref<25600xi32, #tpu.memory_space<vmem>>, vector<16xi32>,
      %swap3A_139 = vector.shape_cast %swap3A_138 : vector<16xi32> to vector<16xi32>
      %swap3A_140 = vector.shape_cast %get3A_132 : vector<16xi32> to vector<16xi32>
      tpu.vector_store %arg5[%swap3A_137], %swap3A_140 {strides = array<i32>} : memref<25600xi32, #tpu.memory_space<vmem>>, vector<16xi32>,
      %get3A_141 = arith.index_cast %scan3A_10 : i32 to index
      %get3A_142 = arith.constant 176 : index
      %get3A_143 = tpu.vector_load %arg4[%get3A_141, %get3A_142] {strides = array<i32>} : memref<128x200xi32, #tpu.memory_space<vmem>>, vector<1x16xi32>,
      %get3A_144 = vector.shape_cast %get3A_143 : vector<1x16xi32> to vector<16xi32>
      %mul3A_145 = arith.constant 200 : i32
      %mul3A_146 = arith.muli %scan3A_10, %mul3A_145 : i32
      %add3A_147 = arith.constant 176 : i32
      %add3A_148 = arith.addi %mul3A_146, %add3A_147 : i32
      %swap3A_149 = arith.index_cast %add3A_148 : i32 to index
      %swap3A_150 = tpu.vector_load %arg5[%swap3A_149] {strides = array<i32>} : memref<25600xi32, #tpu.memory_space<vmem>>, vector<16xi32>,
      %swap3A_151 = vector.shape_cast %swap3A_150 : vector<16xi32> to vector<16xi32>
      %swap3A_152 = vector.shape_cast %get3A_144 : vector<16xi32> to vector<16xi32>
      tpu.vector_store %arg5[%swap3A_149], %swap3A_152 {strides = array<i32>} : memref<25600xi32, #tpu.memory_space<vmem>>, vector<16xi32>,
      %get3A_153 = arith.index_cast %scan3A_10 : i32 to index
      %get3A_154 = arith.constant 184 : index
      %get3A_155 = tpu.vector_load %arg4[%get3A_153, %get3A_154] {strides = array<i32>} : memref<128x200xi32, #tpu.memory_space<vmem>>, vector<1x16xi32>,
      %get3A_156 = vector.shape_cast %get3A_155 : vector<1x16xi32> to vector<16xi32>
      %mul3A_157 = arith.constant 200 : i32
      %mul3A_158 = arith.muli %scan3A_10, %mul3A_157 : i32
      %add3A_159 = arith.constant 184 : i32
      %add3A_160 = arith.addi %mul3A_158, %add3A_159 : i32
      %swap3A_161 = arith.index_cast %add3A_160 : i32 to index
      %swap3A_162 = tpu.vector_load %arg5[%swap3A_161] {strides = array<i32>} : memref<25600xi32, #tpu.memory_space<vmem>>, vector<16xi32>,
      %swap3A_163 = vector.shape_cast %swap3A_162 : vector<16xi32> to vector<16xi32>
      %swap3A_164 = vector.shape_cast %get3A_156 : vector<16xi32> to vector<16xi32>
      tpu.vector_store %arg5[%swap3A_161], %swap3A_164 {strides = array<i32>} : memref<25600xi32, #tpu.memory_space<vmem>>, vector<16xi32>,
    }
    %scan3A_7 = arith.constant 128 : i32
    %mul3A_8 = arith.constant 200 : i32
    %mul3A_9 = arith.muli %mul3A_2, %mul3A_8 : i32
    "tpu.region"() ({
      %run_scoped3A = tpu.sem_alloc : memref<!tpu.dma_semaphore, #tpu.memory_space<semaphore_mem>>
      %dma_start3A = tpu.memref_slice %arg3[%mul3A_9] : memref<819200xi32, #tpu.memory_space<hbm>> -> memref<25600xi32, #tpu.memory_space<hbm>>
      %dma_start3A_10 = tpu.memref_slice %arg3[%mul3A_9] : memref<819200xi32, #tpu.memory_space<hbm>> -> memref<25600xi32, #tpu.memory_space<hbm>>
      tpu.enqueue_dma source(%arg5 : memref<25600xi32, #tpu.memory_space<vmem>>) target(%dma_start3A_10 : memref<25600xi32, #tpu.memory_space<hbm>>) target_semaphore(%run_scoped3A : memref<!tpu.dma_semaphore, #tpu.memory_space<semaphore_mem>>)
      %dma_wait3A = tpu.memref_slice %arg3[%mul3A_9] : memref<819200xi32, #tpu.memory_space<hbm>> -> memref<25600xi32, #tpu.memory_space<hbm>>
      %dma_wait3A_11 = tpu.memref_slice %arg3[%mul3A_9] : memref<819200xi32, #tpu.memory_space<hbm>> -> memref<25600xi32, #tpu.memory_space<hbm>>
      tpu.wait_dma2 semaphore(%run_scoped3A : memref<!tpu.dma_semaphore, #tpu.memory_space<semaphore_mem>>) src(%arg5 : memref<25600xi32, #tpu.memory_space<vmem>>) dst(%dma_wait3A_11 : memref<25600xi32, #tpu.memory_space<hbm>>)
      tpu.yield
    }) : () -> ()
    return
  }
}

#map = affine_map<(d0, d1) -> (0)>
#map1 = affine_map<(d0, d1) -> (0, 0)>
module attributes {stable_mosaic.version = 14 : i64} {
  func.func @slab_kernel(%arg0: i32, %arg1: i32, %arg2: memref<819200xi32, #tpu.memory_space<hbm>>, %arg3: memref<500000x128xf32, #tpu.memory_space<hbm>>, %arg4: memref<819200x128xf32, #tpu.memory_space<hbm>>, %arg5: memref<25600xi32, #tpu.memory_space<vmem>>, %arg6: memref<2x320x128xf32, #tpu.memory_space<vmem>>, %arg7: memref<!tpu.dma_semaphore, #tpu.memory_space<semaphore_mem>>, %arg8: memref<!tpu.dma_semaphore, #tpu.memory_space<semaphore_mem>>) attributes {dimension_semantics = [#tpu.dimension_semantics<core_parallel>, #tpu.dimension_semantics<subcore_parallel>], iteration_bounds = array<i64: 2, 16>, scalar_prefetch = 0 : i64, scratch_operands = 4 : i64, tpu.core_type = #tpu.core_type<sc_vector_subcore>, window_params = [{transform_indices = #map}, {transform_indices = #map1}, {transform_indices = #map1}]} {
    %mul3A = arith.constant 2 : i32
    %mul3A_0 = arith.muli %arg1, %mul3A : i32
    %add3A = arith.addi %mul3A_0, %arg0 : i32
    %mul3A_1 = arith.constant 25600 : i32
    %mul3A_2 = arith.muli %add3A, %mul3A_1 : i32
    "tpu.region"() ({
      %run_scoped3A = tpu.sem_alloc : memref<!tpu.dma_semaphore, #tpu.memory_space<semaphore_mem>>
      %dma_start3A_33 = tpu.memref_slice %arg2[%mul3A_2] : memref<819200xi32, #tpu.memory_space<hbm>> -> memref<25600xi32, #tpu.memory_space<hbm>>
      %dma_start3A_34 = tpu.memref_slice %arg2[%mul3A_2] : memref<819200xi32, #tpu.memory_space<hbm>> -> memref<25600xi32, #tpu.memory_space<hbm>>
      tpu.enqueue_dma source(%dma_start3A_34 : memref<25600xi32, #tpu.memory_space<hbm>>) target(%arg5 : memref<25600xi32, #tpu.memory_space<vmem>>) target_semaphore(%run_scoped3A : memref<!tpu.dma_semaphore, #tpu.memory_space<semaphore_mem>>)
      %dma_wait3A = tpu.memref_slice %arg2[%mul3A_2] : memref<819200xi32, #tpu.memory_space<hbm>> -> memref<25600xi32, #tpu.memory_space<hbm>>
      %dma_wait3A_35 = tpu.memref_slice %arg2[%mul3A_2] : memref<819200xi32, #tpu.memory_space<hbm>> -> memref<25600xi32, #tpu.memory_space<hbm>>
      tpu.wait_dma2 semaphore(%run_scoped3A : memref<!tpu.dma_semaphore, #tpu.memory_space<semaphore_mem>>) src(%dma_wait3A_35 : memref<25600xi32, #tpu.memory_space<hbm>>) dst(%arg5 : memref<25600xi32, #tpu.memory_space<vmem>>)
      tpu.yield
    }) : () -> ()
    %dma_start3A = arith.constant 0 : i32
    %dma_start3A_3 = arith.constant 0 : i32
    %dma_start3A_4 = arith.constant 0 : i32
    %dma_start3A_5 = tpu.memref_slice %arg6[%dma_start3A, %dma_start3A_3, %dma_start3A_4] : memref<2x320x128xf32, #tpu.memory_space<vmem>> -> memref<1x320x128xf32, #tpu.memory_space<vmem>>
    %dma_start3A_6 = tpu.memref_squeeze %dma_start3A_5 : memref<1x320x128xf32, #tpu.memory_space<vmem>> -> memref<320x128xf32, #tpu.memory_space<vmem>>
    %dma_start3A_7 = arith.constant 0 : i32
    %dma_start3A_8 = arith.constant 0 : i32
    %dma_start3A_9 = tpu.memref_slice %dma_start3A_6[%dma_start3A_7, %dma_start3A_8] : memref<320x128xf32, #tpu.memory_space<vmem>> -> memref<160x128xf32, #tpu.memory_space<vmem>>
    %dma_start3A_10 = arith.constant 0 : i32
    %dma_start3A_11 = tpu.memref_slice %arg5[%dma_start3A_10] : memref<25600xi32, #tpu.memory_space<vmem>> -> memref<160xi32, #tpu.memory_space<vmem>>
    %dma_start3A_12 = arith.constant 0 : i32
    %dma_start3A_13 = arith.constant 0 : i32
    %dma_start3A_14 = tpu.memref_slice %arg3[%dma_start3A_12, %dma_start3A_13] : memref<500000x128xf32, #tpu.memory_space<hbm>> -> memref<500000x128xf32, #tpu.memory_space<hbm>>
    tpu.enqueue_indirect_dma source(%dma_start3A_14 : memref<500000x128xf32, #tpu.memory_space<hbm>>) target(%dma_start3A_9 : memref<160x128xf32, #tpu.memory_space<vmem>>) offsets(%dma_start3A_11 : memref<160xi32, #tpu.memory_space<vmem>>) semaphore(%arg7 : memref<!tpu.dma_semaphore, #tpu.memory_space<semaphore_mem>>)
    %dma_start3A_15 = arith.constant 0 : i32
    %dma_start3A_16 = arith.constant 0 : i32
    %dma_start3A_17 = arith.constant 0 : i32
    %dma_start3A_18 = tpu.memref_slice %arg6[%dma_start3A_15, %dma_start3A_16, %dma_start3A_17] : memref<2x320x128xf32, #tpu.memory_space<vmem>> -> memref<1x320x128xf32, #tpu.memory_space<vmem>>
    %dma_start3A_19 = tpu.memref_squeeze %dma_start3A_18 : memref<1x320x128xf32, #tpu.memory_space<vmem>> -> memref<320x128xf32, #tpu.memory_space<vmem>>
    %dma_start3A_20 = arith.constant 160 : i32
    %dma_start3A_21 = arith.constant 0 : i32
    %dma_start3A_22 = tpu.memref_slice %dma_start3A_19[%dma_start3A_20, %dma_start3A_21] : memref<320x128xf32, #tpu.memory_space<vmem>> -> memref<160x128xf32, #tpu.memory_space<vmem>>
    %dma_start3A_23 = arith.constant 160 : i32
    %dma_start3A_24 = tpu.memref_slice %arg5[%dma_start3A_23] : memref<25600xi32, #tpu.memory_space<vmem>> -> memref<160xi32, #tpu.memory_space<vmem>>
    %dma_start3A_25 = arith.constant 0 : i32
    %dma_start3A_26 = arith.constant 0 : i32
    %dma_start3A_27 = tpu.memref_slice %arg3[%dma_start3A_25, %dma_start3A_26] : memref<500000x128xf32, #tpu.memory_space<hbm>> -> memref<500000x128xf32, #tpu.memory_space<hbm>>
    tpu.enqueue_indirect_dma source(%dma_start3A_27 : memref<500000x128xf32, #tpu.memory_space<hbm>>) target(%dma_start3A_22 : memref<160x128xf32, #tpu.memory_space<vmem>>) offsets(%dma_start3A_24 : memref<160xi32, #tpu.memory_space<vmem>>) semaphore(%arg7 : memref<!tpu.dma_semaphore, #tpu.memory_space<semaphore_mem>>)
    %scan3A = arith.constant 0 : i32
    %scan3A_28 = arith.constant 0 : i32
    %scan3A_29 = arith.constant 40 : i32
    %scan3A_30 = arith.addi %scan3A_28, %scan3A_29 : i32
    %scan3A_31 = arith.constant 1 : i32
    scf.for %scan3A_33 = %scan3A_28 to %scan3A_30 step %scan3A_31  : i32 {
      %mul3A_34 = arith.constant 2 : i32
      %mul3A_35 = arith.muli %scan3A_33, %mul3A_34 : i32
      %add3A_36 = arith.constant 0 : i32
      %add3A_37 = arith.addi %mul3A_35, %add3A_36 : i32
      %add3A_38 = arith.constant 1 : i32
      %add3A_39 = arith.addi %add3A_37, %add3A_38 : i32
      %lt3A = arith.constant 80 : i32
      %lt3A_40 = arith.cmpi slt, %add3A_39, %lt3A : i32
      %convert_element_type3A = arith.extui %lt3A_40 : i1 to i32
      %cond3A = arith.constant 0 : i32
      %cond3A_41 = arith.cmpi ne, %convert_element_type3A, %cond3A : i32
      scf.if %cond3A_41 {
        %add3A_87 = arith.constant 1 : i32
        %add3A_88 = arith.addi %add3A_37, %add3A_87 : i32
        %mul3A_89 = arith.constant 320 : i32
        %mul3A_90 = arith.muli %add3A_88, %mul3A_89 : i32
        %add3A_91 = arith.constant 0 : i32
        %add3A_92 = arith.addi %mul3A_90, %add3A_91 : i32
        %dma_start3A_93 = arith.constant 1 : i32
        %dma_start3A_94 = arith.constant 0 : i32
        %dma_start3A_95 = arith.constant 0 : i32
        %dma_start3A_96 = tpu.memref_slice %arg6[%dma_start3A_93, %dma_start3A_94, %dma_start3A_95] : memref<2x320x128xf32, #tpu.memory_space<vmem>> -> memref<1x320x128xf32, #tpu.memory_space<vmem>>
        %dma_start3A_97 = tpu.memref_squeeze %dma_start3A_96 : memref<1x320x128xf32, #tpu.memory_space<vmem>> -> memref<320x128xf32, #tpu.memory_space<vmem>>
        %dma_start3A_98 = arith.constant 0 : i32
        %dma_start3A_99 = arith.constant 0 : i32
        %dma_start3A_100 = tpu.memref_slice %dma_start3A_97[%dma_start3A_98, %dma_start3A_99] : memref<320x128xf32, #tpu.memory_space<vmem>> -> memref<160x128xf32, #tpu.memory_space<vmem>>
        %dma_start3A_101 = tpu.memref_slice %arg5[%add3A_92] : memref<25600xi32, #tpu.memory_space<vmem>> -> memref<160xi32, #tpu.memory_space<vmem>>
        %dma_start3A_102 = arith.constant 0 : i32
        %dma_start3A_103 = arith.constant 0 : i32
        %dma_start3A_104 = tpu.memref_slice %arg3[%dma_start3A_102, %dma_start3A_103] : memref<500000x128xf32, #tpu.memory_space<hbm>> -> memref<500000x128xf32, #tpu.memory_space<hbm>>
        tpu.enqueue_indirect_dma source(%dma_start3A_104 : memref<500000x128xf32, #tpu.memory_space<hbm>>) target(%dma_start3A_100 : memref<160x128xf32, #tpu.memory_space<vmem>>) offsets(%dma_start3A_101 : memref<160xi32, #tpu.memory_space<vmem>>) semaphore(%arg8 : memref<!tpu.dma_semaphore, #tpu.memory_space<semaphore_mem>>)
        %mul3A_105 = arith.constant 320 : i32
        %mul3A_106 = arith.muli %add3A_88, %mul3A_105 : i32
        %add3A_107 = arith.constant 160 : i32
        %add3A_108 = arith.addi %mul3A_106, %add3A_107 : i32
        %dma_start3A_109 = arith.constant 1 : i32
        %dma_start3A_110 = arith.constant 0 : i32
        %dma_start3A_111 = arith.constant 0 : i32
        %dma_start3A_112 = tpu.memref_slice %arg6[%dma_start3A_109, %dma_start3A_110, %dma_start3A_111] : memref<2x320x128xf32, #tpu.memory_space<vmem>> -> memref<1x320x128xf32, #tpu.memory_space<vmem>>
        %dma_start3A_113 = tpu.memref_squeeze %dma_start3A_112 : memref<1x320x128xf32, #tpu.memory_space<vmem>> -> memref<320x128xf32, #tpu.memory_space<vmem>>
        %dma_start3A_114 = arith.constant 160 : i32
        %dma_start3A_115 = arith.constant 0 : i32
        %dma_start3A_116 = tpu.memref_slice %dma_start3A_113[%dma_start3A_114, %dma_start3A_115] : memref<320x128xf32, #tpu.memory_space<vmem>> -> memref<160x128xf32, #tpu.memory_space<vmem>>
        %dma_start3A_117 = tpu.memref_slice %arg5[%add3A_108] : memref<25600xi32, #tpu.memory_space<vmem>> -> memref<160xi32, #tpu.memory_space<vmem>>
        %dma_start3A_118 = arith.constant 0 : i32
        %dma_start3A_119 = arith.constant 0 : i32
        %dma_start3A_120 = tpu.memref_slice %arg3[%dma_start3A_118, %dma_start3A_119] : memref<500000x128xf32, #tpu.memory_space<hbm>> -> memref<500000x128xf32, #tpu.memory_space<hbm>>
        tpu.enqueue_indirect_dma source(%dma_start3A_120 : memref<500000x128xf32, #tpu.memory_space<hbm>>) target(%dma_start3A_116 : memref<160x128xf32, #tpu.memory_space<vmem>>) offsets(%dma_start3A_117 : memref<160xi32, #tpu.memory_space<vmem>>) semaphore(%arg8 : memref<!tpu.dma_semaphore, #tpu.memory_space<semaphore_mem>>)
      } else {
      }
      %dma_wait3A = arith.constant 0 : i32
      %dma_wait3A_42 = arith.constant 0 : i32
      %dma_wait3A_43 = arith.constant 0 : i32
      %dma_wait3A_44 = tpu.memref_slice %arg6[%dma_wait3A, %dma_wait3A_42, %dma_wait3A_43] : memref<2x320x128xf32, #tpu.memory_space<vmem>> -> memref<1x320x128xf32, #tpu.memory_space<vmem>>
      %dma_wait3A_45 = tpu.memref_squeeze %dma_wait3A_44 : memref<1x320x128xf32, #tpu.memory_space<vmem>> -> memref<320x128xf32, #tpu.memory_space<vmem>>
      %dma_wait3A_46 = arith.constant 0 : i32
      %dma_wait3A_47 = arith.constant 0 : i32
      %dma_wait3A_48 = tpu.memref_slice %arg3[%dma_wait3A_46, %dma_wait3A_47] : memref<500000x128xf32, #tpu.memory_space<hbm>> -> memref<320x128xf32, #tpu.memory_space<hbm>>
      %dma_wait3A_49 = arith.constant 0 : i32
      %dma_wait3A_50 = arith.constant 0 : i32
      %dma_wait3A_51 = tpu.memref_slice %arg6[%dma_wait3A, %dma_wait3A_49, %dma_wait3A_50] : memref<2x320x128xf32, #tpu.memory_space<vmem>> -> memref<1x320x128xf32, #tpu.memory_space<vmem>>
      %dma_wait3A_52 = tpu.memref_squeeze %dma_wait3A_51 : memref<1x320x128xf32, #tpu.memory_space<vmem>> -> memref<320x128xf32, #tpu.memory_space<vmem>>
      %dma_wait3A_53 = arith.constant 0 : i32
      %dma_wait3A_54 = arith.constant 0 : i32
      %dma_wait3A_55 = tpu.memref_slice %arg3[%dma_wait3A_53, %dma_wait3A_54] : memref<500000x128xf32, #tpu.memory_space<hbm>> -> memref<320x128xf32, #tpu.memory_space<hbm>>
      tpu.wait_dma2 semaphore(%arg7 : memref<!tpu.dma_semaphore, #tpu.memory_space<semaphore_mem>>) src(%dma_wait3A_55 : memref<320x128xf32, #tpu.memory_space<hbm>>) dst(%dma_wait3A_52 : memref<320x128xf32, #tpu.memory_space<vmem>>)
      %mul3A_56 = arith.constant 320 : i32
      %mul3A_57 = arith.muli %add3A_37, %mul3A_56 : i32
      %add3A_58 = arith.addi %mul3A_2, %mul3A_57 : i32
      %run_scoped3A = arith.constant 0 : i32
      "tpu.region"() ({
        %run_scoped3A_87 = tpu.sem_alloc : memref<!tpu.dma_semaphore, #tpu.memory_space<semaphore_mem>>
        %dma_start3A_88 = arith.constant 0 : i32
        %dma_start3A_89 = arith.constant 0 : i32
        %dma_start3A_90 = tpu.memref_slice %arg6[%run_scoped3A, %dma_start3A_88, %dma_start3A_89] : memref<2x320x128xf32, #tpu.memory_space<vmem>> -> memref<1x320x128xf32, #tpu.memory_space<vmem>>
        %dma_start3A_91 = tpu.memref_squeeze %dma_start3A_90 : memref<1x320x128xf32, #tpu.memory_space<vmem>> -> memref<320x128xf32, #tpu.memory_space<vmem>>
        %dma_start3A_92 = arith.constant 0 : i32
        %dma_start3A_93 = tpu.memref_slice %arg4[%add3A_58, %dma_start3A_92] : memref<819200x128xf32, #tpu.memory_space<hbm>> -> memref<320x128xf32, #tpu.memory_space<hbm>>
        %dma_start3A_94 = arith.constant 0 : i32
        %dma_start3A_95 = tpu.memref_slice %arg4[%add3A_58, %dma_start3A_94] : memref<819200x128xf32, #tpu.memory_space<hbm>> -> memref<320x128xf32, #tpu.memory_space<hbm>>
        %dma_start3A_96 = arith.constant 0 : i32
        %dma_start3A_97 = arith.constant 0 : i32
        %dma_start3A_98 = tpu.memref_slice %arg6[%run_scoped3A, %dma_start3A_96, %dma_start3A_97] : memref<2x320x128xf32, #tpu.memory_space<vmem>> -> memref<1x320x128xf32, #tpu.memory_space<vmem>>
        %dma_start3A_99 = tpu.memref_squeeze %dma_start3A_98 : memref<1x320x128xf32, #tpu.memory_space<vmem>> -> memref<320x128xf32, #tpu.memory_space<vmem>>
        tpu.enqueue_dma source(%dma_start3A_99 : memref<320x128xf32, #tpu.memory_space<vmem>>) target(%dma_start3A_95 : memref<320x128xf32, #tpu.memory_space<hbm>>) target_semaphore(%run_scoped3A_87 : memref<!tpu.dma_semaphore, #tpu.memory_space<semaphore_mem>>)
        %dma_wait3A_100 = arith.constant 0 : i32
        %dma_wait3A_101 = arith.constant 0 : i32
        %dma_wait3A_102 = tpu.memref_slice %arg6[%run_scoped3A, %dma_wait3A_100, %dma_wait3A_101] : memref<2x320x128xf32, #tpu.memory_space<vmem>> -> memref<1x320x128xf32, #tpu.memory_space<vmem>>
        %dma_wait3A_103 = tpu.memref_squeeze %dma_wait3A_102 : memref<1x320x128xf32, #tpu.memory_space<vmem>> -> memref<320x128xf32, #tpu.memory_space<vmem>>
        %dma_wait3A_104 = arith.constant 0 : i32
        %dma_wait3A_105 = tpu.memref_slice %arg4[%add3A_58, %dma_wait3A_104] : memref<819200x128xf32, #tpu.memory_space<hbm>> -> memref<320x128xf32, #tpu.memory_space<hbm>>
        %dma_wait3A_106 = arith.constant 0 : i32
        %dma_wait3A_107 = tpu.memref_slice %arg4[%add3A_58, %dma_wait3A_106] : memref<819200x128xf32, #tpu.memory_space<hbm>> -> memref<320x128xf32, #tpu.memory_space<hbm>>
        %dma_wait3A_108 = arith.constant 0 : i32
        %dma_wait3A_109 = arith.constant 0 : i32
        %dma_wait3A_110 = tpu.memref_slice %arg6[%run_scoped3A, %dma_wait3A_108, %dma_wait3A_109] : memref<2x320x128xf32, #tpu.memory_space<vmem>> -> memref<1x320x128xf32, #tpu.memory_space<vmem>>
        %dma_wait3A_111 = tpu.memref_squeeze %dma_wait3A_110 : memref<1x320x128xf32, #tpu.memory_space<vmem>> -> memref<320x128xf32, #tpu.memory_space<vmem>>
        tpu.wait_dma2 semaphore(%run_scoped3A_87 : memref<!tpu.dma_semaphore, #tpu.memory_space<semaphore_mem>>) src(%dma_wait3A_111 : memref<320x128xf32, #tpu.memory_space<vmem>>) dst(%dma_wait3A_107 : memref<320x128xf32, #tpu.memory_space<hbm>>)
        tpu.yield
      }) : () -> ()
      %add3A_59 = arith.constant 1 : i32
      %add3A_60 = arith.addi %mul3A_35, %add3A_59 : i32
      %add3A_61 = arith.constant 1 : i32
      %add3A_62 = arith.addi %add3A_60, %add3A_61 : i32
      %lt3A_63 = arith.constant 80 : i32
      %lt3A_64 = arith.cmpi slt, %add3A_62, %lt3A_63 : i32
      %convert_element_type3A_65 = arith.extui %lt3A_64 : i1 to i32
      %cond3A_66 = arith.constant 0 : i32
      %cond3A_67 = arith.cmpi ne, %convert_element_type3A_65, %cond3A_66 : i32
      scf.if %cond3A_67 {
        %add3A_87 = arith.constant 1 : i32
        %add3A_88 = arith.addi %add3A_60, %add3A_87 : i32
        %mul3A_89 = arith.constant 320 : i32
        %mul3A_90 = arith.muli %add3A_88, %mul3A_89 : i32
        %add3A_91 = arith.constant 0 : i32
        %add3A_92 = arith.addi %mul3A_90, %add3A_91 : i32
        %dma_start3A_93 = arith.constant 0 : i32
        %dma_start3A_94 = arith.constant 0 : i32
        %dma_start3A_95 = arith.constant 0 : i32
        %dma_start3A_96 = tpu.memref_slice %arg6[%dma_start3A_93, %dma_start3A_94, %dma_start3A_95] : memref<2x320x128xf32, #tpu.memory_space<vmem>> -> memref<1x320x128xf32, #tpu.memory_space<vmem>>
        %dma_start3A_97 = tpu.memref_squeeze %dma_start3A_96 : memref<1x320x128xf32, #tpu.memory_space<vmem>> -> memref<320x128xf32, #tpu.memory_space<vmem>>
        %dma_start3A_98 = arith.constant 0 : i32
        %dma_start3A_99 = arith.constant 0 : i32
        %dma_start3A_100 = tpu.memref_slice %dma_start3A_97[%dma_start3A_98, %dma_start3A_99] : memref<320x128xf32, #tpu.memory_space<vmem>> -> memref<160x128xf32, #tpu.memory_space<vmem>>
        %dma_start3A_101 = tpu.memref_slice %arg5[%add3A_92] : memref<25600xi32, #tpu.memory_space<vmem>> -> memref<160xi32, #tpu.memory_space<vmem>>
        %dma_start3A_102 = arith.constant 0 : i32
        %dma_start3A_103 = arith.constant 0 : i32
        %dma_start3A_104 = tpu.memref_slice %arg3[%dma_start3A_102, %dma_start3A_103] : memref<500000x128xf32, #tpu.memory_space<hbm>> -> memref<500000x128xf32, #tpu.memory_space<hbm>>
        tpu.enqueue_indirect_dma source(%dma_start3A_104 : memref<500000x128xf32, #tpu.memory_space<hbm>>) target(%dma_start3A_100 : memref<160x128xf32, #tpu.memory_space<vmem>>) offsets(%dma_start3A_101 : memref<160xi32, #tpu.memory_space<vmem>>) semaphore(%arg7 : memref<!tpu.dma_semaphore, #tpu.memory_space<semaphore_mem>>)
        %mul3A_105 = arith.constant 320 : i32
        %mul3A_106 = arith.muli %add3A_88, %mul3A_105 : i32
        %add3A_107 = arith.constant 160 : i32
        %add3A_108 = arith.addi %mul3A_106, %add3A_107 : i32
        %dma_start3A_109 = arith.constant 0 : i32
        %dma_start3A_110 = arith.constant 0 : i32
        %dma_start3A_111 = arith.constant 0 : i32
        %dma_start3A_112 = tpu.memref_slice %arg6[%dma_start3A_109, %dma_start3A_110, %dma_start3A_111] : memref<2x320x128xf32, #tpu.memory_space<vmem>> -> memref<1x320x128xf32, #tpu.memory_space<vmem>>
        %dma_start3A_113 = tpu.memref_squeeze %dma_start3A_112 : memref<1x320x128xf32, #tpu.memory_space<vmem>> -> memref<320x128xf32, #tpu.memory_space<vmem>>
        %dma_start3A_114 = arith.constant 160 : i32
        %dma_start3A_115 = arith.constant 0 : i32
        %dma_start3A_116 = tpu.memref_slice %dma_start3A_113[%dma_start3A_114, %dma_start3A_115] : memref<320x128xf32, #tpu.memory_space<vmem>> -> memref<160x128xf32, #tpu.memory_space<vmem>>
        %dma_start3A_117 = tpu.memref_slice %arg5[%add3A_108] : memref<25600xi32, #tpu.memory_space<vmem>> -> memref<160xi32, #tpu.memory_space<vmem>>
        %dma_start3A_118 = arith.constant 0 : i32
        %dma_start3A_119 = arith.constant 0 : i32
        %dma_start3A_120 = tpu.memref_slice %arg3[%dma_start3A_118, %dma_start3A_119] : memref<500000x128xf32, #tpu.memory_space<hbm>> -> memref<500000x128xf32, #tpu.memory_space<hbm>>
        tpu.enqueue_indirect_dma source(%dma_start3A_120 : memref<500000x128xf32, #tpu.memory_space<hbm>>) target(%dma_start3A_116 : memref<160x128xf32, #tpu.memory_space<vmem>>) offsets(%dma_start3A_117 : memref<160xi32, #tpu.memory_space<vmem>>) semaphore(%arg7 : memref<!tpu.dma_semaphore, #tpu.memory_space<semaphore_mem>>)
      } else {
      }
      %dma_wait3A_68 = arith.constant 1 : i32
      %dma_wait3A_69 = arith.constant 0 : i32
      %dma_wait3A_70 = arith.constant 0 : i32
      %dma_wait3A_71 = tpu.memref_slice %arg6[%dma_wait3A_68, %dma_wait3A_69, %dma_wait3A_70] : memref<2x320x128xf32, #tpu.memory_space<vmem>> -> memref<1x320x128xf32, #tpu.memory_space<vmem>>
      %dma_wait3A_72 = tpu.memref_squeeze %dma_wait3A_71 : memref<1x320x128xf32, #tpu.memory_space<vmem>> -> memref<320x128xf32, #tpu.memory_space<vmem>>
      %dma_wait3A_73 = arith.constant 0 : i32
      %dma_wait3A_74 = arith.constant 0 : i32
      %dma_wait3A_75 = tpu.memref_slice %arg3[%dma_wait3A_73, %dma_wait3A_74] : memref<500000x128xf32, #tpu.memory_space<hbm>> -> memref<320x128xf32, #tpu.memory_space<hbm>>
      %dma_wait3A_76 = arith.constant 0 : i32
      %dma_wait3A_77 = arith.constant 0 : i32
      %dma_wait3A_78 = tpu.memref_slice %arg6[%dma_wait3A_68, %dma_wait3A_76, %dma_wait3A_77] : memref<2x320x128xf32, #tpu.memory_space<vmem>> -> memref<1x320x128xf32, #tpu.memory_space<vmem>>
      %dma_wait3A_79 = tpu.memref_squeeze %dma_wait3A_78 : memref<1x320x128xf32, #tpu.memory_space<vmem>> -> memref<320x128xf32, #tpu.memory_space<vmem>>
      %dma_wait3A_80 = arith.constant 0 : i32
      %dma_wait3A_81 = arith.constant 0 : i32
      %dma_wait3A_82 = tpu.memref_slice %arg3[%dma_wait3A_80, %dma_wait3A_81] : memref<500000x128xf32, #tpu.memory_space<hbm>> -> memref<320x128xf32, #tpu.memory_space<hbm>>
      tpu.wait_dma2 semaphore(%arg8 : memref<!tpu.dma_semaphore, #tpu.memory_space<semaphore_mem>>) src(%dma_wait3A_82 : memref<320x128xf32, #tpu.memory_space<hbm>>) dst(%dma_wait3A_79 : memref<320x128xf32, #tpu.memory_space<vmem>>)
      %mul3A_83 = arith.constant 320 : i32
      %mul3A_84 = arith.muli %add3A_60, %mul3A_83 : i32
      %add3A_85 = arith.addi %mul3A_2, %mul3A_84 : i32
      %run_scoped3A_86 = arith.constant 1 : i32
      "tpu.region"() ({
        %run_scoped3A_87 = tpu.sem_alloc : memref<!tpu.dma_semaphore, #tpu.memory_space<semaphore_mem>>
        %dma_start3A_88 = arith.constant 0 : i32
        %dma_start3A_89 = arith.constant 0 : i32
        %dma_start3A_90 = tpu.memref_slice %arg6[%run_scoped3A_86, %dma_start3A_88, %dma_start3A_89] : memref<2x320x128xf32, #tpu.memory_space<vmem>> -> memref<1x320x128xf32, #tpu.memory_space<vmem>>
        %dma_start3A_91 = tpu.memref_squeeze %dma_start3A_90 : memref<1x320x128xf32, #tpu.memory_space<vmem>> -> memref<320x128xf32, #tpu.memory_space<vmem>>
        %dma_start3A_92 = arith.constant 0 : i32
        %dma_start3A_93 = tpu.memref_slice %arg4[%add3A_85, %dma_start3A_92] : memref<819200x128xf32, #tpu.memory_space<hbm>> -> memref<320x128xf32, #tpu.memory_space<hbm>>
        %dma_start3A_94 = arith.constant 0 : i32
        %dma_start3A_95 = tpu.memref_slice %arg4[%add3A_85, %dma_start3A_94] : memref<819200x128xf32, #tpu.memory_space<hbm>> -> memref<320x128xf32, #tpu.memory_space<hbm>>
        %dma_start3A_96 = arith.constant 0 : i32
        %dma_start3A_97 = arith.constant 0 : i32
        %dma_start3A_98 = tpu.memref_slice %arg6[%run_scoped3A_86, %dma_start3A_96, %dma_start3A_97] : memref<2x320x128xf32, #tpu.memory_space<vmem>> -> memref<1x320x128xf32, #tpu.memory_space<vmem>>
        %dma_start3A_99 = tpu.memref_squeeze %dma_start3A_98 : memref<1x320x128xf32, #tpu.memory_space<vmem>> -> memref<320x128xf32, #tpu.memory_space<vmem>>
        tpu.enqueue_dma source(%dma_start3A_99 : memref<320x128xf32, #tpu.memory_space<vmem>>) target(%dma_start3A_95 : memref<320x128xf32, #tpu.memory_space<hbm>>) target_semaphore(%run_scoped3A_87 : memref<!tpu.dma_semaphore, #tpu.memory_space<semaphore_mem>>)
        %dma_wait3A_100 = arith.constant 0 : i32
        %dma_wait3A_101 = arith.constant 0 : i32
        %dma_wait3A_102 = tpu.memref_slice %arg6[%run_scoped3A_86, %dma_wait3A_100, %dma_wait3A_101] : memref<2x320x128xf32, #tpu.memory_space<vmem>> -> memref<1x320x128xf32, #tpu.memory_space<vmem>>
        %dma_wait3A_103 = tpu.memref_squeeze %dma_wait3A_102 : memref<1x320x128xf32, #tpu.memory_space<vmem>> -> memref<320x128xf32, #tpu.memory_space<vmem>>
        %dma_wait3A_104 = arith.constant 0 : i32
        %dma_wait3A_105 = tpu.memref_slice %arg4[%add3A_85, %dma_wait3A_104] : memref<819200x128xf32, #tpu.memory_space<hbm>> -> memref<320x128xf32, #tpu.memory_space<hbm>>
        %dma_wait3A_106 = arith.constant 0 : i32
        %dma_wait3A_107 = tpu.memref_slice %arg4[%add3A_85, %dma_wait3A_106] : memref<819200x128xf32, #tpu.memory_space<hbm>> -> memref<320x128xf32, #tpu.memory_space<hbm>>
        %dma_wait3A_108 = arith.constant 0 : i32
        %dma_wait3A_109 = arith.constant 0 : i32
        %dma_wait3A_110 = tpu.memref_slice %arg6[%run_scoped3A_86, %dma_wait3A_108, %dma_wait3A_109] : memref<2x320x128xf32, #tpu.memory_space<vmem>> -> memref<1x320x128xf32, #tpu.memory_space<vmem>>
        %dma_wait3A_111 = tpu.memref_squeeze %dma_wait3A_110 : memref<1x320x128xf32, #tpu.memory_space<vmem>> -> memref<320x128xf32, #tpu.memory_space<vmem>>
        tpu.wait_dma2 semaphore(%run_scoped3A_87 : memref<!tpu.dma_semaphore, #tpu.memory_space<semaphore_mem>>) src(%dma_wait3A_111 : memref<320x128xf32, #tpu.memory_space<vmem>>) dst(%dma_wait3A_107 : memref<320x128xf32, #tpu.memory_space<hbm>>)
        tpu.yield
      }) : () -> ()
    }
    %scan3A_32 = arith.constant 40 : i32
    return
  }
}

</mosaic_0001>

<sc_bundles>
// kernel: kernel.4.cloned.1.call-start
scs
__scs_entry_jumppad:
0x0: {  	(pc) =	sbr.rel $0x88, $3  }
0x1: {  	(tag) =	ssettag $0x0;
	lr =	simm.s32 $0x1  }
0x2: {  	[smem:$0x3F9F] =	sst lr;
	_ =	strace $0xD0000000  }
0x3: {  	_ = 	snop  }
0x4: {  	_ = 	snop  }
0x5: {  	_ = 	snop  }
0x6: {  	_ = 	snop  }
0x7: {  	_ = 	snop  }
__scs_overlays_trampoline_lowered:
0x8: {  	[smem:$0x3FAE] =	sst s0  }
0x9: {  	[smem:$0x3FAF] =	sst s1  }
0xa: {  	[smem:$0x3FB0] =	sst s2  }
0xb: {  	[smem:$0x3FB1] =	sst s3  }
0xc: {  	[smem:$0x3FB2] =	sst s4  }
0xd: {  	[smem:$0x3FB3] =	sst s5  }
0xe: {  	[smem:$0x3FB4] =	sst s6  }
0xf: {  	[smem:$0x3FB5] =	sst s7  }
0x10: {  	[smem:$0x3FB6] =	sst s8  }
0x11: {  	[smem:$0x3FB7] =	sst s9;
	s0 =	simm.s32 @!p0 $0x0  }
0x12: {  	s1 =	sld [smem:$0x3F9D];
	s0 =	simm.s32 @p0 $0x1  }
0x13: {  	[smem:$0x3FB8] =	sst s0;
	s0 =	simm.s32 @!p1 $0x0  }
0x14: {  	s2 =	sld [smem:$0x3F9C];
	s0 =	simm.s32 @p1 $0x1  }
0x15: {  	[smem:$0x3FB9] =	sst s0;
	s0 =	simm.s32 @!p2 $0x0  }
0x16: {  	s3 =	sld [smem:$0x3FDB];
	s0 =	simm.s32 @p2 $0x1  }
0x17: {  	s4 =	simm.s32 $0x1BF5;
	[smem:$0x3FBB] =	sst s0  }
0x18: {  	s0 =	sld [smem:$0x3F9E];
	_ =	swait.ge [sflag:s4], $0x0  }
0x19: {  	s7 =	sld [smem:$0x3F9F]  }
0x1a: {  	s8 =	sadd.s32 $0xFFFFE003, lr  }
0x1b: {  	s9 =	sadd.s32 $0xFFFFFEF7, lr;
	s5 =	simm.s32 $0xFFFFFFFF;
	p2 =	slt.u32 s8, $0xFFFFF086  }
0x1c: {  	p1 =	slt.u32 s9, $0xF7A;
	s5 =	simm.s32 @!p2 $0x0  }
0x1d: {  	s5 =	simm.s32 @p1 $0x1;
	p0 =	seq.s32 s7, s2  }
0x1e: {  	s7 =	smul.u32 @!p0 $0xF7A, s2;
	p2 =	seq.s32 @!p0 s5, $0x0  }
0x1f: {  	s9 =	smul.u32 $0xF7A, s1;
	s8 =	simm.s32 @!p0 $0x1BF5;
	p2 =	por !p2, p0  }
0x20: {  	[sflag:s8] =	ssyncset.s32 @!p0 $0xFFFFF086;
	s6 =	sadd.s32 @!p0 s3, s7;
	s7 =	simm.s32 @!p0 $0x108  }
0x21: {  	s3 =	sadd.s32 s3, s9;
	s6 =	sadd.s32 @!p0 $0x88, s6;
	s7 =	simm.s32 @p2 $0x1082  }
0x22: {  	[simem:s7], [sflag:s8] =	dma.local @!p0 [hbm:s6], $0xF7A  }
0x23: {  	s9 =	sor.u32 $0xD0000000, s2;
	s6 =	simm.s32 $0x108;
	_ =	swait.ge @!p0 [sflag:s8], $0x0  }
0x24: {  	s3 =	sadd.s32 $0x88, s3;
	s6 =	simm.s32 @!p1 $0x1082;
	[sflag:s4] =	ssyncset.s32 $0xFFFFF086  }
0x25: {  	[simem:s6], [sflag:s4] =	dma.local [hbm:s3], $0xF7A  }
0x26: {  	[smem:$0x3F9F] =	sst s1;
	(tag) =	ssettag s2;
	_ =	strace s9  }
0x27: {  	s1 =	sld [smem:$0x3FAF]  }
0x28: {  	s2 =	sld [smem:$0x3FB0]  }
0x29: {  	s4 =	sld [smem:$0x3FB2]  }
0x2a: {  	p0 =	seq.s32 s5, $0x0;
	s5 =	sld [smem:$0x3FB3]  }
0x2b: {  	s6 =	sld [smem:$0x3FB4]  }
0x2c: {  	s7 =	sld [smem:$0x3FB5]  }
0x2d: {  	s3 =	simm.s32 $0x108;
	s8 =	sld [smem:$0x3FB6]  }
0x2e: {  	s3 =	simm.s32 @!p0 $0x1082;
	s9 =	sld [smem:$0x3FB7]  }
0x2f: {  	lr =	sadd.s32 s0, s3;
	s0 =	sld [smem:$0x3FAE]  }
0x30: {  	s3 =	sld [smem:$0x3FB1]  }
0x31: {  	[smem:$0x3FBA] =	sst s10  }
0x32: {  	s10 =	sld [smem:$0x3FB8];
	_ =	sdelay $0x3  }
0x33: {  	p0 =	seq.s32 s10, $0x1;
	s10 =	sld [smem:$0x3FBA];
	_ =	sdelay $0x3  }
0x34: {  	[smem:$0x3FBA] =	sst s10  }
0x35: {  	s10 =	sld [smem:$0x3FB9];
	_ =	sdelay $0x3  }
0x36: {  	p1 =	seq.s32 s10, $0x1;
	s10 =	sld [smem:$0x3FBA];
	_ =	sdelay $0x3  }
0x37: {  	[smem:$0x3FBA] =	sst s10  }
0x38: {  	s10 =	sld [smem:$0x3FBB]  }
0x39: {  	_ = 	snop;
	(pc) =	sbr.ind lr, $3  }
0x3a: {  	_ = 	snop  }
0x3b: {  	_ = 	snop  }
0x3c: {  	p2 =	seq.s32 s10, $0x1;
	s10 =	sld [smem:$0x3FBA]  }
0x3d: {  	_ =	shalt  }
0x3e: {  	_ =	shalt  }
0x3f: {  	_ =	shalt  }
0x40: {  	_ =	shalt  }
0x41: {  	_ =	shalt  }
0x42: {  	_ =	shalt  }
0x43: {  	_ =	shalt  }
0x44: {  	_ =	shalt  }
0x45: {  	_ =	shalt  }
0x46: {  	_ =	shalt  }
0x47: {  	_ =	shalt  }
0x48: {  	_ =	shalt  }
0x49: {  	_ =	shalt  }
0x4a: {  	_ =	shalt  }
0x4b: {  	_ =	shalt  }
0x4c: {  	_ =	shalt  }
0x4d: {  	_ =	shalt  }
0x4e: {  	_ =	shalt  }
0x4f: {  	_ =	shalt  }
0x50: {  	_ =	shalt  }
0x51: {  	_ =	shalt  }
0x52: {  	_ =	shalt  }
0x53: {  	_ =	shalt  }
0x54: {  	_ =	shalt  }
0x55: {  	_ =	shalt  }
0x56: {  	_ =	shalt  }
0x57: {  	_ =	shalt  }
0x58: {  	_ =	shalt  }
0x59: {  	_ =	shalt  }
0x5a: {  	_ =	shalt  }
0x5b: {  	_ =	shalt  }
0x5c: {  	_ =	shalt  }
0x5d: {  	_ =	shalt  }
0x5e: {  	_ =	shalt  }
0x5f: {  	_ =	shalt  }
0x60: {  	_ =	shalt  }
0x61: {  	_ =	shalt  }
0x62: {  	_ =	shalt  }
0x63: {  	_ =	shalt  }
0x64: {  	_ =	shalt  }
0x65: {  	_ =	shalt  }
0x66: {  	_ =	shalt  }
0x67: {  	_ =	shalt  }
0x68: {  	_ =	shalt  }
0x69: {  	_ =	shalt  }
0x6a: {  	_ =	shalt  }
0x6b: {  	_ =	shalt  }
0x6c: {  	_ =	shalt  }
0x6d: {  	_ =	shalt  }
0x6e: {  	_ =	shalt  }
0x6f: {  	_ =	shalt  }
0x70: {  	_ =	shalt  }
0x71: {  	_ =	shalt  }
0x72: {  	_ =	shalt  }
0x73: {  	_ =	shalt  }
0x74: {  	_ =	shalt  }
0x75: {  	_ =	shalt  }
0x76: {  	_ =	shalt  }
0x77: {  	_ =	shalt  }
0x78: {  	_ =	shalt  }
0x79: {  	_ =	shalt  }
0x7a: {  	_ =	shalt  }
0x7b: {  	_ =	shalt  }
0x7c: {  	_ =	shalt  }
0x7d: {  	_ =	shalt  }
0x7e: {  	_ =	shalt  }
0x7f: {  	_ =	shalt  }
0x80: {  	_ =	shalt  }
0x81: {  	_ =	shalt  }
0x82: {  	_ =	shalt  }
0x83: {  	_ =	shalt  }
0x84: {  	_ =	shalt  }
0x85: {  	_ =	shalt  }
0x86: {  	_ =	shalt  }
0x87: {  	_ =	shalt  }
.Lfunc_end0:
.L_simem_size_0:
called_computation_lowered:
.L_overlay_start_0:
0x88: {  	s2 =	sld [smem:$0x3FD9]  }
0x89: {  	s3 =	sld [smem:$0x3FFE];
	_ =	sdelay $0x1  }
0x8a: {  	s1 =	srdreg.scid  }
0x8b: {  	s0 =	sand.u32 $0x1, s1  }
0x8c: {  	s17 =	sshll.u32 s0, $0xA;
	s2 =	sadd.s32 s3, s2  }
0x8d: {  	s2 =	sadd.s32 s2, s17  }
0x8e: {  	[smem:$0x3FC6] =	sst s2  }
0x8f: {  	_ = 	snop  }
0x90: {  	s2 =	sld [smem:$0x3FD0];
	(tm) =	ssettm $0x1  }
0x91: {  	s18 =	sld [smem:$0x3FFB];
	_ =	sdelay $0x3  }
0x92: {  	_ =	strace s18  }
0x93: {  	s3 =	sld [smem:$0x3FFC];
	_ =	sdelay $0x3  }
0x94: {  	_ =	strace s3  }
0x95: {  	s3 =	sld [smem:$0x3FFD];
	_ =	sdelay $0x3  }
0x96: {  	_ =	strace s3  }
0x97: {  	_ =	strace $0x8FFFFFFF  }
0x98: {  	s19 =	sld [smem:$0x3FDB];
	_ =	sdelay $0x1  }
0x99: {  	s4 =	simm.s32 $_scs_section_size  }
0x9a: {  	s5 =	simm.s32 $_size__tile_overlayer_lowered;
	s6 =	simm.s32 $_tile_overlayer_lowered  }
0x9b: {  	s22 =	simm.s32 $0x1BFF;
	s21 =	sshll.u32 s6, $0x1;
	s3 =	sadd.s32 s4, s19  }
0x9c: {  	s7 =	simm.s32 $0x0;
	s20 =	sshll.u32 s5, $0x1;
	s5 =	sadd.s32 s21, s3  }
0x9d: {  	[timem:s7], [sflag:s22] =	dma.local [hbm:s5], s20  }
0x9e: {  	_ =	swait.ge [sflag:s22], s20  }
0x9f: {  	s4 =	ssub.s32 $0x0, s20;
	[sflag:s22] =	ssyncset.done $0x0  }
0xa0: {  	[sflag:s22] =	ssyncadd.s32 s4;
	_ =	sdelay $0x1  }
0xa1: {  	s23 =	simm.s32 $0x1B8B  }
0xa2: {  	_ =	swait.ge [sflag:s23], $0x1  }
0xa3: {  	[sflag:s23] =	ssyncset.done $0x0  }
0xa4: {  	s25 =	simm.s32 $0x1B8E;
	s24 =	sld [smem:$0x3FFE];
	[sflag:s23] =	ssyncadd.s32 $0xFFFFFFFF  }
0xa5: {  	s26 =	simm.s32 $execute0_lowered;
	[smem:$0x3FD2] =	sst s25  }
0xa6: {  	s5 =	sshll.u32 s26, $0x1;
	_ =	strace $0x80000046;
	[dreg:$0x1] =	wrdreg $0xFFFFFFFF  }
0xa7: {  	s28 =	simm.s32 $_size_execute0_lowered;
	s3 =	sadd.s32 s3, s5;
	[dreg:$0x0] =	wrdreg $0x0  }
0xa8: {  	s5 =	sshll.u32 s28, $0x1;
	[dreg:$0x2] =	wrdreg s3  }
0xa9: {  	[dreg:$0x3] =	wrdreg s5  }
0xaa: {  	[dreg:$0x4] =	wrdreg $0xC0  }
0xab: {  	_ =	task [dreg:s7], $0x5FFFF  }
0xac: {  	[dreg:$0x1] =	wrdreg $0xFFFFFFFF  }
0xad: {  	[dreg:$0x0] =	wrdreg $0x60  }
0xae: {  	[dreg:$0x2] =	wrdreg s2  }
0xaf: {  	[dreg:$0x3] =	wrdreg s24  }
0xb0: {  	[dreg:$0x4] =	wrdreg $0x9  }
0xb1: {  	_ =	task.clear_ibuf [dreg:s7], $0x5FFFF;
	_ =	strace $0x90000046  }
0xb2: {  	s29 =	simm.s32 $0x9;
	_ =	strace $0x80000048  }
0xb3: {  	_ =	swait.ge [sflag:s29], $0x1  }
0xb4: {  	[sflag:s29] =	ssyncadd.s32 $0xFFFFFFFF  }
0xb5: {  	_ =	strace $0x90000048  }
0xb6: {  	_ =	sfence  }
0xb7: {  	s30 =	sld [smem:$0x0];
	_ =	sdelay $0x2  }
0xb8: {  	s31 =	sshll.u32 s1, $0xD;
	s1 =	sshrl.u32 s1, $0x2  }
0xb9: {  	s3 =	sand.u32 $0x4000, s31;
	s1 =	sadd.s32 s1, s30  }
0xba: {  	s0 =	sor.u32 s3, s0;
	s1 =	sshll.u32 s1, $0x11  }
0xbb: {  	s0 =	sor.u32 s1, s0  }
0xbc: {  	s0 =	sadd.s32 $0x8F2B, s0  }
0xbd: {  	[sflag:s0] =	ssyncadd.remote.s32 $0x1  }
0xbe: {  	_ =	sfence.sel $0xFFFF  }
0xbf: {  	[dreg:$0x0] =	wrdreg $0xFFFFFFFF;
	(pc) =	sbr.abs _section_cstart, $3  }
0xc0: {  	[dreg:$0x1] =	wrdreg $0xFFFFFFFF  }
0xc1: {  	_ =	task.clear_ibuf [dreg:s7], $0x2FFFF;
	_ =	strace $0x9FFFFFFF  }
0xc2: {  	(tm) =	ssettm $0x7FFFFFFF  }
0xc3: {  	_ =	shalt  }
tec
execute0_lowered:
.L_overlay_start_1:
0x0: {  	(tag) =	ssettag $0x1  }
0x1: {  	s3 =	rddreg [dreg:$0x0];
	s1 =	srdreg.scid  }
0x2: {  	s0 =	stileid.u32;
	s4 =	rddreg [dreg:$0x1];
	v0 =	vimm.s32 $0xFEDCBA98;
	s2 =	simm.s32 $0x0  }
0x3: {  	v1 =	vimm.s32 $0x76543210;
	s5 =	sand.u32 $0x1, s1;
	s6 =	sshll.u32 s0, $0x1;
	s1 =	rddreg [dreg:$0x2];
	v0 =	vunpack.c.l.s4.s8 v0  }
0x4: {  	[smem:$0x7FF] =	sst s2;
	v1 =	vunpack.c.l.s4.s8 v1;
	s6 =	sor.u32 s5, s6;
	s5 =	ssub.s32 $0x2, s5  }
0x5: {  	s7 =	smul.u32 $0xC80, s6;
	s8 =	sshrl.u32 s5, $0x1;
	v0 =	vunpack.c.0.s8.s32 v0;
	s6 =	sshll.u32 s6, $0xC  }
0x6: {  	_ =	strace $0x80000047;
	v1 =	vunpack.c.0.s8.s32 v1;
	s5 =	ssub.s32 s5, s8;
	s3 =	sadd.s32 s3, s6  }
0x7: {  	s6 =	simm.s32 $0x1;
	s8 =	simm.s32 $0x0;
	s4 =	sadd.s32 s7, s4;
	v0 =	vand.u32 $0xF, v0  }
0x8: {  	vm0 =	vmmov $0xff;
	s5 =	smax.u32 s5, $0x1;
	s7 =	simm.s32 $0x8000;
	s4 =	sadd.s32 $0x800, s4;
	v0 =	vcombine.low v0, v1  }
.LBB2_1:
0x9: {  	[tilespmem:s2], [sflag:$0x1] =	stream.linear.gather [hbm4b:s3+s2], $0x8000, $0x38;
	[tilespmem:$0xE400] =	vst v63  }
0xa: {  	_ =	swait.ge [sflag:s6], $0x8000  }
0xb: {  	s9 =	sand.u32 $0x7800, s2;
	s10 =	sand.u32 $0x380, s2;
	[sflag:s6] =	ssyncset.done $0x0  }
0xc: {  	s10 =	sor.u32 s10, s9;
	[sflag:s6] =	ssyncadd.s32 $0xFFFF8000  }
0xd: {  	v1 =	vld [tilespmem:s10+$0x0];
	_ =	sdelay $0x3  }
0xe: {  	s9 =	simm.s32 $0x8060  }
0xf: {  	[tilespmem:s9+$0xFFFFFFA0] =	vst v1  }
0x10: {  	v1 =	vld [tilespmem:s10+$0x10];
	_ =	sdelay $0x4  }
0x11: {  	[tilespmem:s9+$0xFFFFFFB0] =	vst v1  }
0x12: {  	v1 =	vld [tilespmem:s10+$0x20];
	_ =	sdelay $0x4  }
0x13: {  	[tilespmem:s9+$0xFFFFFFC0] =	vst v1  }
0x14: {  	v1 =	vld [tilespmem:s10+$0x30];
	_ =	sdelay $0x4  }
0x15: {  	[tilespmem:s9+$0xFFFFFFD0] =	vst v1  }
0x16: {  	v1 =	vld [tilespmem:s10+$0x40];
	_ =	sdelay $0x4  }
0x17: {  	[tilespmem:s9+$0xFFFFFFE0] =	vst v1  }
0x18: {  	v1 =	vld [tilespmem:s10+$0x50];
	_ =	sdelay $0x4  }
0x19: {  	[tilespmem:s9+$0xFFFFFFF0] =	vst v1  }
0x1a: {  	v1 =	vld [tilespmem:s10+$0x60];
	_ =	sdelay $0x4  }
0x1b: {  	[tilespmem:s9+$0x0] =	vst v1  }
0x1c: {  	v1 =	vld [tilespmem:s10+$0x70];
	_ =	sdelay $0x4  }
0x1d: {  	[tilespmem:s9+$0x10] =	vst v1  }
0x1e: {  	v1 =	vld [tilespmem:s10+$0x400];
	_ =	sdelay $0x3  }
0x1f: {  	s11 =	sand.u32 $0x7FF8, s2  }
0x20: {  	[tilespmem:s11+$0x8080] =	vst v1  }
0x21: {  	v1 =	vld [tilespmem:s10+$0x410];
	_ =	sdelay $0x4  }
0x22: {  	[tilespmem:s9+$0x30] =	vst v1  }
0x23: {  	v1 =	vld [tilespmem:s10+$0x420];
	_ =	sdelay $0x4  }
0x24: {  	[tilespmem:s9+$0x40] =	vst v1  }
0x25: {  	v1 =	vld [tilespmem:s10+$0x430];
	_ =	sdelay $0x4  }
0x26: {  	s10 =	sor.u32 $0x440, s10;
	[tilespmem:s9+$0x50] =	vst v1  }
0x27: {  	v2 =	vld.msk [tilespmem:s10+$0x0], $0xff;
	_ =	sdelay $0x4  }
0x28: {  	v1 =	vperm.xlane v1, v0;
	v2 =	vperm.xlane v2, v0  }
0x29: {  	s31 =	simm.s32 $0x100;
	s12 =	simm.s32 $0x200;
	s11 =	simm.s32 $0x80  }
0x2a: {  	s13 =	sand.u32 $0x7800, s31;
	s14 =	sand.u32 $0x380, s11;
	s10 =	simm.s32 $0x0;
	v1 =	vsel vm0, v1, v2  }
.LBB2_2:
0x2b: {  	p0 =	sne.s32 s12, $0x7F00;
	s13 =	sor.u32 s14, s13;
	[tilespmem:s9+$0x58] =	vst v1  }
0x2c: {  	v1 =	vld [tilespmem:s13+$0x0];
	_ =	sdelay $0x3  }
0x2d: {  	s9 =	sadd.s32 $0xC8, s9  }
0x2e: {  	[tilespmem:s9+$0xFFFFFFA0] =	vst v1  }
0x2f: {  	v1 =	vld [tilespmem:s13+$0x10];
	_ =	sdelay $0x4  }
0x30: {  	[tilespmem:s9+$0xFFFFFFB0] =	vst v1  }
0x31: {  	v1 =	vld [tilespmem:s13+$0x20];
	_ =	sdelay $0x4  }
0x32: {  	[tilespmem:s9+$0xFFFFFFC0] =	vst v1  }
0x33: {  	v1 =	vld [tilespmem:s13+$0x30];
	_ =	sdelay $0x4  }
0x34: {  	[tilespmem:s9+$0xFFFFFFD0] =	vst v1  }
0x35: {  	v1 =	vld [tilespmem:s13+$0x40];
	_ =	sdelay $0x4  }
0x36: {  	[tilespmem:s9+$0xFFFFFFE0] =	vst v1  }
0x37: {  	v1 =	vld [tilespmem:s13+$0x50];
	_ =	sdelay $0x4  }
0x38: {  	[tilespmem:s9+$0xFFFFFFF0] =	vst v1  }
0x39: {  	v1 =	vld [tilespmem:s13+$0x60];
	_ =	sdelay $0x4  }
0x3a: {  	[tilespmem:s9+$0x0] =	vst v1  }
0x3b: {  	v1 =	vld [tilespmem:s13+$0x70];
	_ =	sdelay $0x4  }
0x3c: {  	[tilespmem:s9+$0x10] =	vst v1  }
0x3d: {  	v1 =	vld [tilespmem:s13+$0x400];
	_ =	sdelay $0x2  }
0x3e: {  	s10 =	sadd.s32 $0xC8, s10  }
0x3f: {  	s14 =	sand.u32 $0x7FF8, s10  }
0x40: {  	[tilespmem:s14+$0x8080] =	vst v1  }
0x41: {  	v1 =	vld [tilespmem:s13+$0x410];
	_ =	sdelay $0x4  }
0x42: {  	[tilespmem:s9+$0x30] =	vst v1  }
0x43: {  	v1 =	vld [tilespmem:s13+$0x420];
	_ =	sdelay $0x4  }
0x44: {  	[tilespmem:s9+$0x40] =	vst v1  }
0x45: {  	v1 =	vld [tilespmem:s13+$0x430];
	_ =	sdelay $0x4  }
0x46: {  	s13 =	sor.u32 $0x440, s13;
	[tilespmem:s9+$0x50] =	vst v1  }
0x47: {  	v2 =	vld.msk [tilespmem:s13+$0x0], $0xff;
	_ =	sdelay $0x2  }
.Ltmp0:
0x48: {  	(pc) =	sbr.rel @p0 .LBB2_2-.Ltmp0, $4  }
0x49: {  	_ = 	snop  }
0x4a: {  	v1 =	vperm.xlane v1, v0;
	v2 =	vperm.xlane v2, v0  }
0x4b: {  	s11 =	sadd.s32 $0x80, s11  }
0x4c: {  	s14 =	sand.u32 $0x380, s11;
	s13 =	sand.u32 $0x7800, s12;
	s12 =	sadd.s32 $0x100, s12;
	v1 =	vsel vm0, v1, v2  }
0x4d: {  	s11 =	sor.u32 s14, s13;
	[tilespmem:s9+$0x58] =	vst v1  }
0x4e: {  	v1 =	vld [tilespmem:s11+$0x0];
	_ =	sdelay $0x3  }
0x4f: {  	s30 =	sadd.s32 $0xC8, s9  }
0x50: {  	[tilespmem:s30+$0xFFFFFFA0] =	vst v1  }
0x51: {  	v1 =	vld [tilespmem:s11+$0x10];
	_ =	sdelay $0x4  }
0x52: {  	[tilespmem:s30+$0xFFFFFFB0] =	vst v1  }
0x53: {  	v1 =	vld [tilespmem:s11+$0x20];
	_ =	sdelay $0x4  }
0x54: {  	[tilespmem:s30+$0xFFFFFFC0] =	vst v1  }
0x55: {  	v1 =	vld [tilespmem:s11+$0x30];
	_ =	sdelay $0x4  }
0x56: {  	[tilespmem:s30+$0xFFFFFFD0] =	vst v1  }
0x57: {  	v1 =	vld [tilespmem:s11+$0x40];
	_ =	sdelay $0x4  }
0x58: {  	[tilespmem:s30+$0xFFFFFFE0] =	vst v1  }
0x59: {  	v1 =	vld [tilespmem:s11+$0x50];
	_ =	sdelay $0x4  }
0x5a: {  	[tilespmem:s30+$0xFFFFFFF0] =	vst v1  }
0x5b: {  	v1 =	vld [tilespmem:s11+$0x60];
	_ =	sdelay $0x4  }
0x5c: {  	[tilespmem:s30+$0x0] =	vst v1  }
0x5d: {  	v1 =	vld [tilespmem:s11+$0x70];
	_ =	sdelay $0x4  }
0x5e: {  	[tilespmem:s30+$0x10] =	vst v1  }
0x5f: {  	v1 =	vld [tilespmem:s11+$0x400];
	_ =	sdelay $0x2  }
0x60: {  	s10 =	sadd.s32 $0xC8, s10  }
0x61: {  	s10 =	sand.u32 $0x7FF8, s10  }
0x62: {  	[tilespmem:s10+$0x8080] =	vst v1  }
0x63: {  	v1 =	vld [tilespmem:s11+$0x410];
	_ =	sdelay $0x4  }
0x64: {  	[tilespmem:s30+$0x30] =	vst v1  }
0x65: {  	v1 =	vld [tilespmem:s11+$0x420];
	_ =	sdelay $0x4  }
0x66: {  	[tilespmem:s30+$0x40] =	vst v1  }
0x67: {  	v1 =	vld [tilespmem:s11+$0x430];
	_ =	sdelay $0x4  }
0x68: {  	s31 =	sor.u32 $0x440, s11;
	[tilespmem:s30+$0x50] =	vst v1  }
0x69: {  	v2 =	vld.msk [tilespmem:s31+$0x0], $0xff;
	_ =	sdelay $0x4  }
0x6a: {  	v1 =	vperm.xlane v1, v0;
	v2 =	vperm.xlane v2, v0  }
0x6b: {  	s8 =	sadd.s32 $0x1, s8  }
0x6c: {  	p0 =	sne.s32 s8, s5;
	v1 =	vsel vm0, v1, v2  }
.Ltmp1:
0x6d: {  	[tilespmem:s30+$0x58] =	vst v1;
	(pc) =	sbr.rel @p0 .LBB2_1-.Ltmp1, $4  }
0x6e: {  	[hbm4b:s4+s2] =	stream.linear.scatter [tilespmem:s7], [sflag:$0x1], $0x6400, $0x38;
	[tilespmem:$0xE400] =	vst v63  }
0x6f: {  	_ =	swait.ge [sflag:s6], $0x6400  }
0x70: {  	[sflag:s6] =	ssyncset.done $0x0  }
0x71: {  	[sflag:s6] =	ssyncadd.s32 $0xFFFF9C00  }
0x72: {  	_ =	sfence.sel $0x180000  }
0x73: {  	[bflag:$0x0] =	sbarrier.arrive $0xFFFF  }
0x74: {  	p0 =	sne.s32 s0, $0x0;
	_ =	strace $0x90000047  }
0x75: {  	s0 =	sadd.s32 @!p0 $0x100000, s1;
	[bflag:$0x2] =	sbarrier.arrive $0xFFFF  }
0x76: {  	[sflag:s0] =	ssyncadd.tile.s32 @!p0 $0x1;
	_ =	shalt  }
.Lfunc_end2:
_tile_overlayer_lowered:
.L_overlay_start_2:
0x77: {  	(tag) =	ssettag $0x2  }
0x78: {  	s0 =	rddreg [dreg:$0x0];
	s2 =	stileid.u32  }
0x79: {  	s1 =	rddreg [dreg:$0x1];
	p0 =	sne.s32 s2, $0x0  }
0x7a: {  	s3 =	rddreg [dreg:$0x2];
	[bflag:$0x3] =	sbarrier.arrive $0xFFFF;
	s2 =	simm.s32 @!p0 $0x1C01  }
0x7b: {  	[timem:s3], [sflag:s2] =	dma.local @!p0 [hbm:s0], s1  }
0x7c: {  	s0 =	simm.s32 @!p0 $0x1  }
0x7d: {  	_ =	swait.ge @!p0 [sflag:s0], s1  }
0x7e: {  	s1 =	ssub.s32 @!p0 $0x0, s1;
	[sflag:s0] =	ssyncset.done @!p0 $0x0  }
0x7f: {  	[sflag:s0] =	ssyncadd.s32 @!p0 s1  }
0x80: {  	[bflag:$0x3] =	sbarrier.arrive $0xFFFF  }
0x81: {  	_ =	shalt  }

// kernel: kernel.7.cloned.1.call-start
scs
__scs_entry_jumppad:
0x0: {  	(pc) =	sbr.rel $0x88, $3  }
0x1: {  	(tag) =	ssettag $0x0;
	lr =	simm.s32 $0x1  }
0x2: {  	[smem:$0x3F9F] =	sst lr;
	_ =	strace $0xD0000000  }
0x3: {  	_ = 	snop  }
0x4: {  	_ = 	snop  }
0x5: {  	_ = 	snop  }
0x6: {  	_ = 	snop  }
0x7: {  	_ = 	snop  }
__scs_overlays_trampoline_lowered:
0x8: {  	[smem:$0x3FAE] =	sst s0  }
0x9: {  	[smem:$0x3FAF] =	sst s1  }
0xa: {  	[smem:$0x3FB0] =	sst s2  }
0xb: {  	[smem:$0x3FB1] =	sst s3  }
0xc: {  	[smem:$0x3FB2] =	sst s4  }
0xd: {  	[smem:$0x3FB3] =	sst s5  }
0xe: {  	[smem:$0x3FB4] =	sst s6  }
0xf: {  	[smem:$0x3FB5] =	sst s7  }
0x10: {  	[smem:$0x3FB6] =	sst s8  }
0x11: {  	[smem:$0x3FB7] =	sst s9;
	s0 =	simm.s32 @!p0 $0x0  }
0x12: {  	s1 =	sld [smem:$0x3F9D];
	s0 =	simm.s32 @p0 $0x1  }
0x13: {  	[smem:$0x3FB8] =	sst s0;
	s0 =	simm.s32 @!p1 $0x0  }
0x14: {  	s2 =	sld [smem:$0x3F9C];
	s0 =	simm.s32 @p1 $0x1  }
0x15: {  	[smem:$0x3FB9] =	sst s0;
	s0 =	simm.s32 @!p2 $0x0  }
0x16: {  	s3 =	sld [smem:$0x3FDB];
	s0 =	simm.s32 @p2 $0x1  }
0x17: {  	s4 =	simm.s32 $0x1BF5;
	[smem:$0x3FBB] =	sst s0  }
0x18: {  	s0 =	sld [smem:$0x3F9E];
	_ =	swait.ge [sflag:s4], $0x0  }
0x19: {  	s7 =	sld [smem:$0x3F9F]  }
0x1a: {  	s8 =	sadd.s32 $0xFFFFE003, lr  }
0x1b: {  	s9 =	sadd.s32 $0xFFFFFEF7, lr;
	s5 =	simm.s32 $0xFFFFFFFF;
	p2 =	slt.u32 s8, $0xFFFFF086  }
0x1c: {  	p1 =	slt.u32 s9, $0xF7A;
	s5 =	simm.s32 @!p2 $0x0  }
0x1d: {  	s5 =	simm.s32 @p1 $0x1;
	p0 =	seq.s32 s7, s2  }
0x1e: {  	s7 =	smul.u32 @!p0 $0xF7A, s2;
	p2 =	seq.s32 @!p0 s5, $0x0  }
0x1f: {  	s9 =	smul.u32 $0xF7A, s1;
	s8 =	simm.s32 @!p0 $0x1BF5;
	p2 =	por !p2, p0  }
0x20: {  	[sflag:s8] =	ssyncset.s32 @!p0 $0xFFFFF086;
	s6 =	sadd.s32 @!p0 s3, s7;
	s7 =	simm.s32 @!p0 $0x108  }
0x21: {  	s3 =	sadd.s32 s3, s9;
	s6 =	sadd.s32 @!p0 $0x88, s6;
	s7 =	simm.s32 @p2 $0x1082  }
0x22: {  	[simem:s7], [sflag:s8] =	dma.local @!p0 [hbm:s6], $0xF7A  }
0x23: {  	s9 =	sor.u32 $0xD0000000, s2;
	s6 =	simm.s32 $0x108;
	_ =	swait.ge @!p0 [sflag:s8], $0x0  }
0x24: {  	s3 =	sadd.s32 $0x88, s3;
	s6 =	simm.s32 @!p1 $0x1082;
	[sflag:s4] =	ssyncset.s32 $0xFFFFF086  }
0x25: {  	[simem:s6], [sflag:s4] =	dma.local [hbm:s3], $0xF7A  }
0x26: {  	[smem:$0x3F9F] =	sst s1;
	(tag) =	ssettag s2;
	_ =	strace s9  }
0x27: {  	s1 =	sld [smem:$0x3FAF]  }
0x28: {  	s2 =	sld [smem:$0x3FB0]  }
0x29: {  	s4 =	sld [smem:$0x3FB2]  }
0x2a: {  	p0 =	seq.s32 s5, $0x0;
	s5 =	sld [smem:$0x3FB3]  }
0x2b: {  	s6 =	sld [smem:$0x3FB4]  }
0x2c: {  	s7 =	sld [smem:$0x3FB5]  }
0x2d: {  	s3 =	simm.s32 $0x108;
	s8 =	sld [smem:$0x3FB6]  }
0x2e: {  	s3 =	simm.s32 @!p0 $0x1082;
	s9 =	sld [smem:$0x3FB7]  }
0x2f: {  	lr =	sadd.s32 s0, s3;
	s0 =	sld [smem:$0x3FAE]  }
0x30: {  	s3 =	sld [smem:$0x3FB1]  }
0x31: {  	[smem:$0x3FBA] =	sst s10  }
0x32: {  	s10 =	sld [smem:$0x3FB8];
	_ =	sdelay $0x3  }
0x33: {  	p0 =	seq.s32 s10, $0x1;
	s10 =	sld [smem:$0x3FBA];
	_ =	sdelay $0x3  }
0x34: {  	[smem:$0x3FBA] =	sst s10  }
0x35: {  	s10 =	sld [smem:$0x3FB9];
	_ =	sdelay $0x3  }
0x36: {  	p1 =	seq.s32 s10, $0x1;
	s10 =	sld [smem:$0x3FBA];
	_ =	sdelay $0x3  }
0x37: {  	[smem:$0x3FBA] =	sst s10  }
0x38: {  	s10 =	sld [smem:$0x3FBB]  }
0x39: {  	_ = 	snop;
	(pc) =	sbr.ind lr, $3  }
0x3a: {  	_ = 	snop  }
0x3b: {  	_ = 	snop  }
0x3c: {  	p2 =	seq.s32 s10, $0x1;
	s10 =	sld [smem:$0x3FBA]  }
0x3d: {  	_ =	shalt  }
0x3e: {  	_ =	shalt  }
0x3f: {  	_ =	shalt  }
0x40: {  	_ =	shalt  }
0x41: {  	_ =	shalt  }
0x42: {  	_ =	shalt  }
0x43: {  	_ =	shalt  }
0x44: {  	_ =	shalt  }
0x45: {  	_ =	shalt  }
0x46: {  	_ =	shalt  }
0x47: {  	_ =	shalt  }
0x48: {  	_ =	shalt  }
0x49: {  	_ =	shalt  }
0x4a: {  	_ =	shalt  }
0x4b: {  	_ =	shalt  }
0x4c: {  	_ =	shalt  }
0x4d: {  	_ =	shalt  }
0x4e: {  	_ =	shalt  }
0x4f: {  	_ =	shalt  }
0x50: {  	_ =	shalt  }
0x51: {  	_ =	shalt  }
0x52: {  	_ =	shalt  }
0x53: {  	_ =	shalt  }
0x54: {  	_ =	shalt  }
0x55: {  	_ =	shalt  }
0x56: {  	_ =	shalt  }
0x57: {  	_ =	shalt  }
0x58: {  	_ =	shalt  }
0x59: {  	_ =	shalt  }
0x5a: {  	_ =	shalt  }
0x5b: {  	_ =	shalt  }
0x5c: {  	_ =	shalt  }
0x5d: {  	_ =	shalt  }
0x5e: {  	_ =	shalt  }
0x5f: {  	_ =	shalt  }
0x60: {  	_ =	shalt  }
0x61: {  	_ =	shalt  }
0x62: {  	_ =	shalt  }
0x63: {  	_ =	shalt  }
0x64: {  	_ =	shalt  }
0x65: {  	_ =	shalt  }
0x66: {  	_ =	shalt  }
0x67: {  	_ =	shalt  }
0x68: {  	_ =	shalt  }
0x69: {  	_ =	shalt  }
0x6a: {  	_ =	shalt  }
0x6b: {  	_ =	shalt  }
0x6c: {  	_ =	shalt  }
0x6d: {  	_ =	shalt  }
0x6e: {  	_ =	shalt  }
0x6f: {  	_ =	shalt  }
0x70: {  	_ =	shalt  }
0x71: {  	_ =	shalt  }
0x72: {  	_ =	shalt  }
0x73: {  	_ =	shalt  }
0x74: {  	_ =	shalt  }
0x75: {  	_ =	shalt  }
0x76: {  	_ =	shalt  }
0x77: {  	_ =	shalt  }
0x78: {  	_ =	shalt  }
0x79: {  	_ =	shalt  }
0x7a: {  	_ =	shalt  }
0x7b: {  	_ =	shalt  }
0x7c: {  	_ =	shalt  }
0x7d: {  	_ =	shalt  }
0x7e: {  	_ =	shalt  }
0x7f: {  	_ =	shalt  }
0x80: {  	_ =	shalt  }
0x81: {  	_ =	shalt  }
0x82: {  	_ =	shalt  }
0x83: {  	_ =	shalt  }
0x84: {  	_ =	shalt  }
0x85: {  	_ =	shalt  }
0x86: {  	_ =	shalt  }
0x87: {  	_ =	shalt  }
.Lfunc_end0:
.L_simem_size_0:
called_computation.1_lowered:
.L_overlay_start_0:
0x88: {  	s2 =	sld [smem:$0x3FD9]  }
0x89: {  	s3 =	sld [smem:$0x3FFE];
	_ =	sdelay $0x1  }
0x8a: {  	s1 =	srdreg.scid  }
0x8b: {  	s0 =	sand.u32 $0x1, s1  }
0x8c: {  	s17 =	sshll.u32 s0, $0xA;
	s2 =	sadd.s32 s3, s2  }
0x8d: {  	s2 =	sadd.s32 s2, s17  }
0x8e: {  	[smem:$0x3FC6] =	sst s2  }
0x8f: {  	_ = 	snop  }
0x90: {  	s2 =	sld [smem:$0x3FD0];
	(tm) =	ssettm $0x1  }
0x91: {  	s18 =	sld [smem:$0x3FFB];
	_ =	sdelay $0x3  }
0x92: {  	_ =	strace s18  }
0x93: {  	s3 =	sld [smem:$0x3FFC];
	_ =	sdelay $0x3  }
0x94: {  	_ =	strace s3  }
0x95: {  	s3 =	sld [smem:$0x3FFD];
	_ =	sdelay $0x3  }
0x96: {  	_ =	strace s3  }
0x97: {  	_ =	strace $0x8FFFFFFF  }
0x98: {  	s19 =	sld [smem:$0x3FDB];
	_ =	sdelay $0x1  }
0x99: {  	s4 =	simm.s32 $_scs_section_size  }
0x9a: {  	s5 =	simm.s32 $_size__tile_overlayer_lowered;
	s6 =	simm.s32 $_tile_overlayer_lowered  }
0x9b: {  	s22 =	simm.s32 $0x1BFF;
	s21 =	sshll.u32 s6, $0x1;
	s3 =	sadd.s32 s4, s19  }
0x9c: {  	s7 =	simm.s32 $0x0;
	s20 =	sshll.u32 s5, $0x1;
	s5 =	sadd.s32 s21, s3  }
0x9d: {  	[timem:s7], [sflag:s22] =	dma.local [hbm:s5], s20  }
0x9e: {  	_ =	swait.ge [sflag:s22], s20  }
0x9f: {  	s4 =	ssub.s32 $0x0, s20;
	[sflag:s22] =	ssyncset.done $0x0  }
0xa0: {  	[sflag:s22] =	ssyncadd.s32 s4;
	_ =	sdelay $0x1  }
0xa1: {  	s23 =	simm.s32 $0x1B8B  }
0xa2: {  	_ =	swait.ge [sflag:s23], $0x1  }
0xa3: {  	[sflag:s23] =	ssyncset.done $0x0  }
0xa4: {  	s25 =	simm.s32 $0x1B8E;
	s24 =	sld [smem:$0x3FFE];
	[sflag:s23] =	ssyncadd.s32 $0xFFFFFFFF  }
0xa5: {  	s26 =	simm.s32 $execute0_lowered;
	[smem:$0x3FD2] =	sst s25  }
0xa6: {  	s5 =	sshll.u32 s26, $0x1;
	_ =	strace $0x80000049;
	[dreg:$0x1] =	wrdreg $0xFFFFFFFF  }
0xa7: {  	s28 =	simm.s32 $_size_execute0_lowered;
	s3 =	sadd.s32 s3, s5;
	[dreg:$0x0] =	wrdreg $0x0  }
0xa8: {  	s5 =	sshll.u32 s28, $0x1;
	[dreg:$0x2] =	wrdreg s3  }
0xa9: {  	[dreg:$0x3] =	wrdreg s5  }
0xaa: {  	[dreg:$0x4] =	wrdreg $0xC0  }
0xab: {  	_ =	task [dreg:s7], $0x5FFFF  }
0xac: {  	[dreg:$0x1] =	wrdreg $0xFFFFFFFF  }
0xad: {  	[dreg:$0x0] =	wrdreg $0x60  }
0xae: {  	[dreg:$0x2] =	wrdreg s24  }
0xaf: {  	[dreg:$0x3] =	wrdreg s2  }
0xb0: {  	[dreg:$0x4] =	wrdreg $0x9  }
0xb1: {  	_ =	task.clear_ibuf [dreg:s7], $0x5FFFF;
	_ =	strace $0x90000049  }
0xb2: {  	s29 =	simm.s32 $0x9;
	_ =	strace $0x8000004B  }
0xb3: {  	_ =	swait.ge [sflag:s29], $0x1  }
0xb4: {  	[sflag:s29] =	ssyncadd.s32 $0xFFFFFFFF  }
0xb5: {  	_ =	strace $0x9000004B  }
0xb6: {  	_ =	sfence  }
0xb7: {  	s30 =	sld [smem:$0x0];
	_ =	sdelay $0x2  }
0xb8: {  	s31 =	sshll.u32 s1, $0xD;
	s1 =	sshrl.u32 s1, $0x2  }
0xb9: {  	s3 =	sand.u32 $0x4000, s31;
	s1 =	sadd.s32 s1, s30  }
0xba: {  	s0 =	sor.u32 s3, s0;
	s1 =	sshll.u32 s1, $0x11  }
0xbb: {  	s0 =	sor.u32 s1, s0  }
0xbc: {  	s0 =	sadd.s32 $0x8F2B, s0  }
0xbd: {  	[sflag:s0] =	ssyncadd.remote.s32 $0x1  }
0xbe: {  	_ =	sfence.sel $0xFFFF  }
0xbf: {  	[dreg:$0x0] =	wrdreg $0xFFFFFFFF;
	(pc) =	sbr.abs _section_cstart, $3  }
0xc0: {  	[dreg:$0x1] =	wrdreg $0xFFFFFFFF  }
0xc1: {  	_ =	task.clear_ibuf [dreg:s7], $0x2FFFF;
	_ =	strace $0x9FFFFFFF  }
0xc2: {  	(tm) =	ssettm $0x7FFFFFFF  }
0xc3: {  	_ =	shalt  }
tec
execute0_lowered:
.L_overlay_start_1:
0x0: {  	(tag) =	ssettag $0x1  }
0x1: {  	s1 =	srdreg.scid  }
0x2: {  	s0 =	stileid.u32;
	s3 =	rddreg [dreg:$0x0]  }
0x3: {  	s8 =	rddreg [dreg:$0x1];
	s2 =	simm.s32 $0x0;
	s11 =	simm.s32 $0x6400  }
0x4: {  	s12 =	simm.s32 $0xB400;
	s13 =	simm.s32 $0x10400;
	s14 =	simm.s32 $0x15400  }
0x5: {  	s15 =	simm.s32 $0x1;
	s16 =	simm.s32 $0x2;
	s17 =	simm.s32 $0x62C0  }
0x6: {  	s18 =	simm.s32 $0x6360;
	s6 =	sand.u32 $0x1, s1;
	s28 =	sshll.u32 s0, $0x1  }
0x7: {  	s19 =	simm.s32 $0x0;
	s29 =	smul.u32 $0xC8000, s0;
	s4 =	sor.u32 s6, s28  }
0x8: {  	s1 =	rddreg [dreg:$0x2];
	s7 =	ssub.s32 $0x2, s6;
	s5 =	smul.u32 $0x6400, s4  }
0x9: {  	[smem:$0x7FF] =	sst s2;
	s9 =	sshrl.u32 s7, $0x1;
	s10 =	smul.u32 $0x64000, s4  }
0xa: {  	_ =	strace $0x8000004A;
	s31 =	smul.u32 $0x64000, s6;
	s7 =	ssub.s32 s7, s9  }
0xb: {  	s9 =	simm.s32 $0x3;
	s5 =	sshrl.u32 s5, $0x3;
	s30 =	sadd.s32 s8, s10  }
0xc: {  	s8 =	sadd.s32 s29, s8;
	s10 =	simm.s32 $0xA0;
	s5 =	sadd.s32 s5, s3  }
0xd: {  	s3 =	sadd.s32 $0xF5BC00, s3;
	s6 =	sadd.s32 $0x61800, s30;
	s8 =	sadd.s32 s31, s8  }
0xe: {  	s4 =	sadd.s32 $0x19800, s5;
	s5 =	smax.u32 s7, $0x1;
	s7 =	sadd.s32 $0x62C00, s30  }
.LBB2_1:
0xf: {  	[tilespmem:s2], [sflag:$0x3] =	stream.linear.gather [hbm4b:s4+s2], $0x6400, $0x38;
	[tilespmem:$0x1A400] =	vst v63  }
0x10: {  	_ =	swait.ge [sflag:s9], $0x6400  }
0x11: {  	[sflag:s9] =	ssyncset.done $0x0  }
0x12: {  	[sflag:s9] =	ssyncadd.s32 $0xFFFF9C00  }
0x13: {  	[tilespmem:s11], [sflag:$0x1] =	stream.indirect.gather [hbm4b:s3+s10], $0x80, s2, s10, $0xb8;
	[tilespmem:$0x1A400] =	vst v63  }
0x14: {  	_ = 	snop  }
0x15: {  	[tilespmem:s12], [sflag:$0x1] =	stream.indirect.gather [hbm4b:s3+s10], $0x80, s10, s10, $0xb8;
	[tilespmem:$0x1A400] =	vst v63  }
0x16: {  	s20 =	simm.s32 $0x140  }
0x17: {  	[tilespmem:s13], [sflag:$0x2] =	stream.indirect.gather [hbm4b:s3+s10], $0x80, s20, s10, $0xb8;
	[tilespmem:$0x1A400] =	vst v63  }
0x18: {  	s28 =	simm.s32 $0x1E0  }
0x19: {  	[tilespmem:s14], [sflag:$0x2] =	stream.indirect.gather [hbm4b:s3+s10], $0x80, s28, s10, $0xb8;
	[tilespmem:$0x1A400] =	vst v63  }
0x1a: {  	_ =	swait.ge [sflag:s15], $0xA000  }
0x1b: {  	[sflag:s15] =	ssyncset.done $0x0  }
0x1c: {  	[sflag:s15] =	ssyncadd.s32 $0xFFFF6000  }
0x1d: {  	[hbm4b:s8+s2] =	stream.linear.scatter [tilespmem:s11], [sflag:$0x3], $0xA000, $0x38;
	[tilespmem:$0x1A400] =	vst v63  }
0x1e: {  	_ =	swait.ge [sflag:s9], $0xA000  }
0x1f: {  	[sflag:s9] =	ssyncset.done $0x0  }
0x20: {  	s29 =	simm.s32 $0x280;
	[sflag:s9] =	ssyncadd.s32 $0xFFFF6000  }
0x21: {  	[tilespmem:s11], [sflag:$0x1] =	stream.indirect.gather [hbm4b:s3+s10], $0x80, s29, s10, $0xb8;
	[tilespmem:$0x1A400] =	vst v63  }
0x22: {  	s30 =	simm.s32 $0x320  }
0x23: {  	[tilespmem:s12], [sflag:$0x1] =	stream.indirect.gather [hbm4b:s3+s10], $0x80, s30, s10, $0xb8;
	[tilespmem:$0x1A400] =	vst v63  }
0x24: {  	_ =	swait.ge [sflag:s16], $0xA000  }
0x25: {  	[sflag:s16] =	ssyncset.done $0x0  }
0x26: {  	s31 =	sadd.s32 $0x1400, s8;
	[sflag:s16] =	ssyncadd.s32 $0xFFFF6000  }
0x27: {  	[hbm4b:s31+s2] =	stream.linear.scatter [tilespmem:s13], [sflag:$0x3], $0xA000, $0x38;
	[tilespmem:$0x1A400] =	vst v63  }
0x28: {  	s22 =	simm.s32 $0x1400;
	_ =	swait.ge [sflag:s9], $0xA000  }
0x29: {  	s21 =	simm.s32 $0x280;
	s20 =	sadd.s32 $0x2800, s8;
	[sflag:s9] =	ssyncset.done $0x0  }
.LBB2_2:
0x2a: {  	s23 =	sadd.s32 $0x140, s21  }
0x2b: {  	[sflag:s9] =	ssyncadd.s32 $0xFFFF6000;
	s24 =	smov.u32 s22;
	s25 =	sadd.s32 $0xA00, s22  }
0x2c: {  	[tilespmem:s13], [sflag:$0x2] =	stream.indirect.gather [hbm4b:s3+s10], $0x80, s23, s10, $0xb8;
	[tilespmem:$0x1A400] =	vst v63  }
0x2d: {  	p0 =	sne.s32 s22, $0x17C00;
	s22 =	sadd.s32 $0x1E0, s21  }
0x2e: {  	[tilespmem:s14], [sflag:$0x2] =	stream.indirect.gather [hbm4b:s3+s10], $0x80, s22, s10, $0xb8;
	[tilespmem:$0x1A400] =	vst v63  }
0x2f: {  	_ =	swait.ge [sflag:s15], $0xA000  }
0x30: {  	[sflag:s15] =	ssyncset.done $0x0  }
0x31: {  	[sflag:s15] =	ssyncadd.s32 $0xFFFF6000  }
0x32: {  	[hbm4b:s20+s2] =	stream.linear.scatter [tilespmem:s11], [sflag:$0x3], $0xA000, $0x38;
	[tilespmem:$0x1A400] =	vst v63  }
0x33: {  	_ =	swait.ge [sflag:s9], $0xA000  }
0x34: {  	[sflag:s9] =	ssyncset.done $0x0  }
0x35: {  	s22 =	sadd.s32 $0x280, s21;
	[sflag:s9] =	ssyncadd.s32 $0xFFFF6000  }
0x36: {  	[tilespmem:s11], [sflag:$0x1] =	stream.indirect.gather [hbm4b:s3+s10], $0x80, s22, s10, $0xb8;
	[tilespmem:$0x1A400] =	vst v63  }
0x37: {  	s21 =	sadd.s32 $0x320, s21  }
0x38: {  	[tilespmem:s12], [sflag:$0x1] =	stream.indirect.gather [hbm4b:s3+s10], $0x80, s21, s10, $0xb8;
	[tilespmem:$0x1A400] =	vst v63  }
0x39: {  	_ =	swait.ge [sflag:s16], $0xA000  }
.Ltmp0:
0x3a: {  	[sflag:s16] =	ssyncset.done $0x0;
	(pc) =	sbr.rel @p0 .LBB2_2-.Ltmp0, $4  }
0x3b: {  	s21 =	sadd.s32 $0x1400, s20;
	[sflag:s16] =	ssyncadd.s32 $0xFFFF6000  }
0x3c: {  	[hbm4b:s21+s2] =	stream.linear.scatter [tilespmem:s13], [sflag:$0x3], $0xA000, $0x38;
	[tilespmem:$0x1A400] =	vst v63  }
0x3d: {  	s22 =	smov.u32 s25;
	_ =	swait.ge [sflag:s9], $0xA000  }
0x3e: {  	s20 =	sadd.s32 $0x2800, s20;
	s21 =	sshra.s32 s24, $0x2;
	[sflag:s9] =	ssyncset.done $0x0  }
0x3f: {  	s22 =	sadd.s32 $0x140, s21;
	[sflag:s9] =	ssyncadd.s32 $0xFFFF6000  }
0x40: {  	[tilespmem:s13], [sflag:$0x2] =	stream.indirect.gather [hbm4b:s3+s10], $0x80, s22, s10, $0xb8;
	[tilespmem:$0x1A400] =	vst v63  }
0x41: {  	s28 =	sadd.s32 $0x1E0, s21  }
0x42: {  	[tilespmem:s14], [sflag:$0x2] =	stream.indirect.gather [hbm4b:s3+s10], $0x80, s28, s10, $0xb8;
	[tilespmem:$0x1A400] =	vst v63  }
0x43: {  	_ =	swait.ge [sflag:s15], $0xA000  }
0x44: {  	[sflag:s15] =	ssyncset.done $0x0  }
0x45: {  	[sflag:s15] =	ssyncadd.s32 $0xFFFF6000  }
0x46: {  	[hbm4b:s20+s2] =	stream.linear.scatter [tilespmem:s11], [sflag:$0x3], $0xA000, $0x38;
	[tilespmem:$0x1A400] =	vst v63  }
0x47: {  	_ =	swait.ge [sflag:s9], $0xA000  }
0x48: {  	[sflag:s9] =	ssyncset.done $0x0  }
0x49: {  	s29 =	sadd.s32 $0x280, s21;
	[sflag:s9] =	ssyncadd.s32 $0xFFFF6000  }
0x4a: {  	[tilespmem:s11], [sflag:$0x1] =	stream.indirect.gather [hbm4b:s3+s10], $0x80, s29, s10, $0xb8;
	[tilespmem:$0x1A400] =	vst v63  }
0x4b: {  	s30 =	sadd.s32 $0x320, s21  }
0x4c: {  	[tilespmem:s12], [sflag:$0x1] =	stream.indirect.gather [hbm4b:s3+s10], $0x80, s30, s10, $0xb8;
	[tilespmem:$0x1A400] =	vst v63  }
0x4d: {  	_ =	swait.ge [sflag:s16], $0xA000  }
0x4e: {  	[sflag:s16] =	ssyncset.done $0x0  }
0x4f: {  	s31 =	sadd.s32 $0x1400, s20;
	[sflag:s16] =	ssyncadd.s32 $0xFFFF6000  }
0x50: {  	[hbm4b:s31+s2] =	stream.linear.scatter [tilespmem:s13], [sflag:$0x3], $0xA000, $0x38;
	[tilespmem:$0x1A400] =	vst v63  }
0x51: {  	_ =	swait.ge [sflag:s9], $0xA000  }
0x52: {  	[sflag:s9] =	ssyncset.done $0x0  }
0x53: {  	[sflag:s9] =	ssyncadd.s32 $0xFFFF6000  }
0x54: {  	[tilespmem:s13], [sflag:$0x2] =	stream.indirect.gather [hbm4b:s3+s10], $0x80, s17, s10, $0xb8;
	[tilespmem:$0x1A400] =	vst v63  }
0x55: {  	_ = 	snop  }
0x56: {  	[tilespmem:s14], [sflag:$0x2] =	stream.indirect.gather [hbm4b:s3+s10], $0x80, s18, s10, $0xb8;
	[tilespmem:$0x1A400] =	vst v63  }
0x57: {  	_ =	swait.ge [sflag:s15], $0xA000  }
0x58: {  	[sflag:s15] =	ssyncset.done $0x0  }
0x59: {  	[sflag:s15] =	ssyncadd.s32 $0xFFFF6000  }
0x5a: {  	[hbm4b:s6+s2] =	stream.linear.scatter [tilespmem:s11], [sflag:$0x3], $0xA000, $0x38;
	[tilespmem:$0x1A400] =	vst v63  }
0x5b: {  	_ =	swait.ge [sflag:s9], $0xA000  }
0x5c: {  	[sflag:s9] =	ssyncset.done $0x0  }
0x5d: {  	[sflag:s9] =	ssyncadd.s32 $0xFFFF6000  }
0x5e: {  	s19 =	sadd.s32 $0x1, s19;
	_ =	swait.ge [sflag:s16], $0xA000  }
0x5f: {  	p0 =	sne.s32 s19, s5;
	[sflag:s16] =	ssyncset.done $0x0  }
.Ltmp1:
0x60: {  	[sflag:s16] =	ssyncadd.s32 $0xFFFF6000;
	(pc) =	sbr.rel @p0 .LBB2_1-.Ltmp1, $4  }
0x61: {  	[hbm4b:s7+s2] =	stream.linear.scatter [tilespmem:s13], [sflag:$0x3], $0xA000, $0x38;
	[tilespmem:$0x1A400] =	vst v63  }
0x62: {  	_ =	swait.ge [sflag:s9], $0xA000  }
0x63: {  	[sflag:s9] =	ssyncset.done $0x0  }
0x64: {  	[sflag:s9] =	ssyncadd.s32 $0xFFFF6000  }
0x65: {  	_ =	sfence.sel $0x180000  }
0x66: {  	[bflag:$0x0] =	sbarrier.arrive $0xFFFF  }
0x67: {  	p0 =	sne.s32 s0, $0x0;
	_ =	strace $0x9000004A  }
0x68: {  	s0 =	sadd.s32 @!p0 $0x100000, s1;
	[bflag:$0x2] =	sbarrier.arrive $0xFFFF  }
0x69: {  	[sflag:s0] =	ssyncadd.tile.s32 @!p0 $0x1;
	_ =	shalt  }
.Lfunc_end2:
_tile_overlayer_lowered:
.L_overlay_start_2:
0x6a: {  	(tag) =	ssettag $0x2  }
0x6b: {  	s0 =	rddreg [dreg:$0x0];
	s2 =	stileid.u32  }
0x6c: {  	s1 =	rddreg [dreg:$0x1];
	p0 =	sne.s32 s2, $0x0  }
0x6d: {  	s3 =	rddreg [dreg:$0x2];
	[bflag:$0x3] =	sbarrier.arrive $0xFFFF;
	s2 =	simm.s32 @!p0 $0x1C03  }
0x6e: {  	[timem:s3], [sflag:s2] =	dma.local @!p0 [hbm:s0], s1  }
0x6f: {  	s0 =	simm.s32 @!p0 $0x3  }
0x70: {  	_ =	swait.ge @!p0 [sflag:s0], s1  }
0x71: {  	s1 =	ssub.s32 @!p0 $0x0, s1;
	[sflag:s0] =	ssyncset.done @!p0 $0x0  }
0x72: {  	[sflag:s0] =	ssyncadd.s32 @!p0 s1  }
0x73: {  	[bflag:$0x3] =	sbarrier.arrive $0xFFFF  }
0x74: {  	_ =	shalt  }

</sc_bundles>
